<compile_context>
chip_gen: v7x
topology: tpu7x:2x2x1
jax: 0.10.2.dev20260603
libtpu: 0.0.44.dev20260713+nightly
codegen_flags: <defaults>
</compile_context>

<pallas_src>
import functools

import jax
import jax.numpy as jnp
from jax import lax
from jax.experimental import pallas as pl
from jax.experimental.pallas import tpu as pltpu
from jax.experimental.pallas import tpu_sc as plsc

NUM_RELATIONS = 500
DIM_EDGE = 256
N_EDGES = 160000

NC = 2
NS = 16
NW = NC * NS
BPW = N_EDGES // NW
C = 40

NCHUNK = BPW // C
NBUF = 5
NGROUP = NCHUNK // NBUF


def _body(idx_hbm, table_hbm, out_hbm, idx_v, rows_v, gsems, ssems):
    wid = lax.axis_index("s") * NC + lax.axis_index("c")
    base = wid * BPW
    pltpu.sync_copy(idx_hbm.at[wid], idx_v)

    def gstart(b, j):
        pltpu.make_async_copy(
            table_hbm.at[idx_v.at[j]], rows_v.at[b], gsems[b]
        ).start()

    def gwait(b):
        pltpu.make_async_copy(
            table_hbm.at[idx_v.at[0]], rows_v.at[b], gsems[b]
        ).wait()

    def sstart(b, j):
        pltpu.make_async_copy(
            rows_v.at[b], out_hbm.at[pl.ds(base + j * C, C)], ssems[b]
        ).start()

    def swait(b):
        pltpu.make_async_copy(
            rows_v.at[b], out_hbm.at[pl.ds(base, C)], ssems[b]
        ).wait()

    for b in range(NBUF):
        gstart(b, b)

    def group(g, carry):
        for b in range(NBUF):
            gwait(b)
            sstart(b, g * NBUF + b)

        @pl.when(g < NGROUP - 1)
        def _():
            for b in range(NBUF):
                swait(b)
                gstart(b, (g + 1) * NBUF + b)

        return carry

    lax.fori_loop(0, NGROUP, group, 0)

    for b in range(NBUF):
        swait(b)


@functools.partial(
    pl.kernel,
    out_type=jax.ShapeDtypeStruct((N_EDGES, DIM_EDGE), jnp.float32),
    mesh=plsc.VectorSubcoreMesh(core_axis_name="c", subcore_axis_name="s"),
    scratch_types=[
        pltpu.VMEM((NCHUNK, C), jnp.int32),
        pltpu.VMEM((NBUF, C, DIM_EDGE), jnp.float32),
    ]
    + [pltpu.SemaphoreType.DMA] * (2 * NBUF),
)
def _gather_kernel(idx_hbm, table_hbm, out_hbm, idx_v, rows_v, *sems):
    _body(idx_hbm, table_hbm, out_hbm, idx_v, rows_v, sems[:NBUF], sems[NBUF:])


def kernel(edge_attr, emb_table):
    idx = edge_attr.astype(jnp.int32).reshape(NW, NCHUNK, C)
    return _gather_kernel(idx, emb_table)

# --- scband reference (transcript-rebuilt; emitter-appended) ---
"""Pipeline reference for scband-relation-embedding-encoder-87462714016166 (READ-ONLY COPY).

The authoritative reference and input builder live on the scoring server;
editing this copy changes nothing except your own understanding.
"""

import jax, jax.numpy as jnp
import numpy as np

NUM_RELATIONS = 500
DIM_EDGE = 256
N_EDGES = 160000


def setup_inputs(seed: int = 0) -> dict:
    key = jax.random.key(seed)
    k1, k2 = jax.random.split(key)
    edge_attr = jax.random.randint(k1, (N_EDGES,), 0, 2 * NUM_RELATIONS, dtype=jnp.int64 if jax.config.jax_enable_x64 else jnp.int32)
    emb_table = jax.random.normal(k2, (2 * NUM_RELATIONS, DIM_EDGE), dtype=jnp.float32)
    return {"edge_attr": edge_attr, "emb_table": emb_table}


def reference(edge_attr, emb_table):
    # RelationEmbeddingEncoder.forward: batch.edge_attr = self.emb(batch.edge_attr.long())
    # nn.Embedding lookup == row gather from the table.
    out = jnp.take(emb_table, edge_attr, axis=0)
    return out

if __name__ == "__main__":
    import jax
    _d = setup_inputs()
    print(jax.jit(kernel)(*tuple(_d.values())))

</pallas_src>

<mosaic_0001>
#map = affine_map<(d0, d1) -> (0, 0, 0)>
#map1 = affine_map<(d0, d1) -> (0, 0)>
module attributes {stable_mosaic.version = 14 : i64} {
  func.func @_gather_kernel(%arg0: i32, %arg1: i32, %arg2: memref<32x125x40xi32, #tpu.memory_space<hbm>>, %arg3: memref<1000x256xf32, #tpu.memory_space<hbm>>, %arg4: memref<160000x256xf32, #tpu.memory_space<hbm>>, %arg5: memref<125x40xi32, #tpu.memory_space<vmem>>, %arg6: memref<5x40x256xf32, #tpu.memory_space<vmem>>, %arg7: memref<!tpu.dma_semaphore, #tpu.memory_space<semaphore_mem>>, %arg8: memref<!tpu.dma_semaphore, #tpu.memory_space<semaphore_mem>>, %arg9: memref<!tpu.dma_semaphore, #tpu.memory_space<semaphore_mem>>, %arg10: memref<!tpu.dma_semaphore, #tpu.memory_space<semaphore_mem>>, %arg11: memref<!tpu.dma_semaphore, #tpu.memory_space<semaphore_mem>>, %arg12: memref<!tpu.dma_semaphore, #tpu.memory_space<semaphore_mem>>, %arg13: memref<!tpu.dma_semaphore, #tpu.memory_space<semaphore_mem>>, %arg14: memref<!tpu.dma_semaphore, #tpu.memory_space<semaphore_mem>>, %arg15: memref<!tpu.dma_semaphore, #tpu.memory_space<semaphore_mem>>, %arg16: memref<!tpu.dma_semaphore, #tpu.memory_space<semaphore_mem>>) attributes {dimension_semantics = [#tpu.dimension_semantics<core_parallel>, #tpu.dimension_semantics<subcore_parallel>], iteration_bounds = array<i64: 2, 16>, scalar_prefetch = 0 : i64, scratch_operands = 12 : i64, tpu.core_type = #tpu.core_type<sc_vector_subcore>, window_params = [{transform_indices = #map}, {transform_indices = #map1}, {transform_indices = #map1}]} {
    %mul3A = arith.constant 2 : i32
    %mul3A_0 = arith.muli %arg1, %mul3A : i32
    %add3A = arith.addi %mul3A_0, %arg0 : i32
    %mul3A_1 = arith.constant 5000 : i32
    %mul3A_2 = arith.muli %add3A, %mul3A_1 : i32
    "tpu.region"() ({
      %run_scoped3A = tpu.sem_alloc : memref<!tpu.dma_semaphore, #tpu.memory_space<semaphore_mem>>
      %dma_start3A_131 = arith.constant 0 : i32
      %dma_start3A_132 = arith.constant 0 : i32
      %dma_start3A_133 = tpu.memref_slice %arg2[%add3A, %dma_start3A_131, %dma_start3A_132] : memref<32x125x40xi32, #tpu.memory_space<hbm>> -> memref<1x125x40xi32, #tpu.memory_space<hbm>>
      %dma_start3A_134 = tpu.memref_squeeze %dma_start3A_133 : memref<1x125x40xi32, #tpu.memory_space<hbm>> -> memref<125x40xi32, #tpu.memory_space<hbm>>
      %dma_start3A_135 = arith.constant 0 : i32
      %dma_start3A_136 = arith.constant 0 : i32
      %dma_start3A_137 = tpu.memref_slice %arg2[%add3A, %dma_start3A_135, %dma_start3A_136] : memref<32x125x40xi32, #tpu.memory_space<hbm>> -> memref<1x125x40xi32, #tpu.memory_space<hbm>>
      %dma_start3A_138 = tpu.memref_squeeze %dma_start3A_137 : memref<1x125x40xi32, #tpu.memory_space<hbm>> -> memref<125x40xi32, #tpu.memory_space<hbm>>
      tpu.enqueue_dma source(%dma_start3A_138 : memref<125x40xi32, #tpu.memory_space<hbm>>) target(%arg5 : memref<125x40xi32, #tpu.memory_space<vmem>>) target_semaphore(%run_scoped3A : memref<!tpu.dma_semaphore, #tpu.memory_space<semaphore_mem>>)
      %dma_wait3A_139 = arith.constant 0 : i32
      %dma_wait3A_140 = arith.constant 0 : i32
      %dma_wait3A_141 = tpu.memref_slice %arg2[%add3A, %dma_wait3A_139, %dma_wait3A_140] : memref<32x125x40xi32, #tpu.memory_space<hbm>> -> memref<1x125x40xi32, #tpu.memory_space<hbm>>
      %dma_wait3A_142 = tpu.memref_squeeze %dma_wait3A_141 : memref<1x125x40xi32, #tpu.memory_space<hbm>> -> memref<125x40xi32, #tpu.memory_space<hbm>>
      %dma_wait3A_143 = arith.constant 0 : i32
      %dma_wait3A_144 = arith.constant 0 : i32
      %dma_wait3A_145 = tpu.memref_slice %arg2[%add3A, %dma_wait3A_143, %dma_wait3A_144] : memref<32x125x40xi32, #tpu.memory_space<hbm>> -> memref<1x125x40xi32, #tpu.memory_space<hbm>>
      %dma_wait3A_146 = tpu.memref_squeeze %dma_wait3A_145 : memref<1x125x40xi32, #tpu.memory_space<hbm>> -> memref<125x40xi32, #tpu.memory_space<hbm>>
      tpu.wait_dma2 semaphore(%run_scoped3A : memref<!tpu.dma_semaphore, #tpu.memory_space<semaphore_mem>>) src(%dma_wait3A_146 : memref<125x40xi32, #tpu.memory_space<hbm>>) dst(%arg5 : memref<125x40xi32, #tpu.memory_space<vmem>>)
      tpu.yield
    }) : () -> ()
    %dma_start3A = arith.constant 0 : i32
    %dma_start3A_3 = arith.constant 0 : i32
    %dma_start3A_4 = arith.constant 0 : i32
    %dma_start3A_5 = arith.constant 0 : i32
    %dma_start3A_6 = tpu.memref_slice %arg6[%dma_start3A_3, %dma_start3A_4, %dma_start3A_5] : memref<5x40x256xf32, #tpu.memory_space<vmem>> -> memref<1x40x256xf32, #tpu.memory_space<vmem>>
    %dma_start3A_7 = tpu.memref_squeeze %dma_start3A_6 : memref<1x40x256xf32, #tpu.memory_space<vmem>> -> memref<40x256xf32, #tpu.memory_space<vmem>>
    %dma_start3A_8 = arith.constant 0 : i32
    %dma_start3A_9 = tpu.memref_slice %arg5[%dma_start3A, %dma_start3A_8] : memref<125x40xi32, #tpu.memory_space<vmem>> -> memref<1x40xi32, #tpu.memory_space<vmem>>
    %dma_start3A_10 = tpu.memref_squeeze %dma_start3A_9 : memref<1x40xi32, #tpu.memory_space<vmem>> -> memref<40xi32, #tpu.memory_space<vmem>>
    %dma_start3A_11 = arith.constant 0 : i32
    %dma_start3A_12 = arith.constant 0 : i32
    %dma_start3A_13 = tpu.memref_slice %arg3[%dma_start3A_11, %dma_start3A_12] : memref<1000x256xf32, #tpu.memory_space<hbm>> -> memref<1000x256xf32, #tpu.memory_space<hbm>>
    tpu.enqueue_indirect_dma source(%dma_start3A_13 : memref<1000x256xf32, #tpu.memory_space<hbm>>) target(%dma_start3A_7 : memref<40x256xf32, #tpu.memory_space<vmem>>) offsets(%dma_start3A_10 : memref<40xi32, #tpu.memory_space<vmem>>) semaphore(%arg7 : memref<!tpu.dma_semaphore, #tpu.memory_space<semaphore_mem>>)
    %dma_start3A_14 = arith.constant 1 : i32
    %dma_start3A_15 = arith.constant 1 : i32
    %dma_start3A_16 = arith.constant 0 : i32
    %dma_start3A_17 = arith.constant 0 : i32
    %dma_start3A_18 = tpu.memref_slice %arg6[%dma_start3A_15, %dma_start3A_16, %dma_start3A_17] : memref<5x40x256xf32, #tpu.memory_space<vmem>> -> memref<1x40x256xf32, #tpu.memory_space<vmem>>
    %dma_start3A_19 = tpu.memref_squeeze %dma_start3A_18 : memref<1x40x256xf32, #tpu.memory_space<vmem>> -> memref<40x256xf32, #tpu.memory_space<vmem>>
    %dma_start3A_20 = arith.constant 0 : i32
    %dma_start3A_21 = tpu.memref_slice %arg5[%dma_start3A_14, %dma_start3A_20] : memref<125x40xi32, #tpu.memory_space<vmem>> -> memref<1x40xi32, #tpu.memory_space<vmem>>
    %dma_start3A_22 = tpu.memref_squeeze %dma_start3A_21 : memref<1x40xi32, #tpu.memory_space<vmem>> -> memref<40xi32, #tpu.memory_space<vmem>>
    %dma_start3A_23 = arith.constant 0 : i32
    %dma_start3A_24 = arith.constant 0 : i32
    %dma_start3A_25 = tpu.memref_slice %arg3[%dma_start3A_23, %dma_start3A_24] : memref<1000x256xf32, #tpu.memory_space<hbm>> -> memref<1000x256xf32, #tpu.memory_space<hbm>>
    tpu.enqueue_indirect_dma source(%dma_start3A_25 : memref<1000x256xf32, #tpu.memory_space<hbm>>) target(%dma_start3A_19 : memref<40x256xf32, #tpu.memory_space<vmem>>) offsets(%dma_start3A_22 : memref<40xi32, #tpu.memory_space<vmem>>) semaphore(%arg8 : memref<!tpu.dma_semaphore, #tpu.memory_space<semaphore_mem>>)
    %dma_start3A_26 = arith.constant 2 : i32
    %dma_start3A_27 = arith.constant 2 : i32
    %dma_start3A_28 = arith.constant 0 : i32
    %dma_start3A_29 = arith.constant 0 : i32
    %dma_start3A_30 = tpu.memref_slice %arg6[%dma_start3A_27, %dma_start3A_28, %dma_start3A_29] : memref<5x40x256xf32, #tpu.memory_space<vmem>> -> memref<1x40x256xf32, #tpu.memory_space<vmem>>
    %dma_start3A_31 = tpu.memref_squeeze %dma_start3A_30 : memref<1x40x256xf32, #tpu.memory_space<vmem>> -> memref<40x256xf32, #tpu.memory_space<vmem>>
    %dma_start3A_32 = arith.constant 0 : i32
    %dma_start3A_33 = tpu.memref_slice %arg5[%dma_start3A_26, %dma_start3A_32] : memref<125x40xi32, #tpu.memory_space<vmem>> -> memref<1x40xi32, #tpu.memory_space<vmem>>
    %dma_start3A_34 = tpu.memref_squeeze %dma_start3A_33 : memref<1x40xi32, #tpu.memory_space<vmem>> -> memref<40xi32, #tpu.memory_space<vmem>>
    %dma_start3A_35 = arith.constant 0 : i32
    %dma_start3A_36 = arith.constant 0 : i32
    %dma_start3A_37 = tpu.memref_slice %arg3[%dma_start3A_35, %dma_start3A_36] : memref<1000x256xf32, #tpu.memory_space<hbm>> -> memref<1000x256xf32, #tpu.memory_space<hbm>>
    tpu.enqueue_indirect_dma source(%dma_start3A_37 : memref<1000x256xf32, #tpu.memory_space<hbm>>) target(%dma_start3A_31 : memref<40x256xf32, #tpu.memory_space<vmem>>) offsets(%dma_start3A_34 : memref<40xi32, #tpu.memory_space<vmem>>) semaphore(%arg9 : memref<!tpu.dma_semaphore, #tpu.memory_space<semaphore_mem>>)
    %dma_start3A_38 = arith.constant 3 : i32
    %dma_start3A_39 = arith.constant 3 : i32
    %dma_start3A_40 = arith.constant 0 : i32
    %dma_start3A_41 = arith.constant 0 : i32
    %dma_start3A_42 = tpu.memref_slice %arg6[%dma_start3A_39, %dma_start3A_40, %dma_start3A_41] : memref<5x40x256xf32, #tpu.memory_space<vmem>> -> memref<1x40x256xf32, #tpu.memory_space<vmem>>
    %dma_start3A_43 = tpu.memref_squeeze %dma_start3A_42 : memref<1x40x256xf32, #tpu.memory_space<vmem>> -> memref<40x256xf32, #tpu.memory_space<vmem>>
    %dma_start3A_44 = arith.constant 0 : i32
    %dma_start3A_45 = tpu.memref_slice %arg5[%dma_start3A_38, %dma_start3A_44] : memref<125x40xi32, #tpu.memory_space<vmem>> -> memref<1x40xi32, #tpu.memory_space<vmem>>
    %dma_start3A_46 = tpu.memref_squeeze %dma_start3A_45 : memref<1x40xi32, #tpu.memory_space<vmem>> -> memref<40xi32, #tpu.memory_space<vmem>>
    %dma_start3A_47 = arith.constant 0 : i32
    %dma_start3A_48 = arith.constant 0 : i32
    %dma_start3A_49 = tpu.memref_slice %arg3[%dma_start3A_47, %dma_start3A_48] : memref<1000x256xf32, #tpu.memory_space<hbm>> -> memref<1000x256xf32, #tpu.memory_space<hbm>>
    tpu.enqueue_indirect_dma source(%dma_start3A_49 : memref<1000x256xf32, #tpu.memory_space<hbm>>) target(%dma_start3A_43 : memref<40x256xf32, #tpu.memory_space<vmem>>) offsets(%dma_start3A_46 : memref<40xi32, #tpu.memory_space<vmem>>) semaphore(%arg10 : memref<!tpu.dma_semaphore, #tpu.memory_space<semaphore_mem>>)
    %dma_start3A_50 = arith.constant 4 : i32
    %dma_start3A_51 = arith.constant 4 : i32
    %dma_start3A_52 = arith.constant 0 : i32
    %dma_start3A_53 = arith.constant 0 : i32
    %dma_start3A_54 = tpu.memref_slice %arg6[%dma_start3A_51, %dma_start3A_52, %dma_start3A_53] : memref<5x40x256xf32, #tpu.memory_space<vmem>> -> memref<1x40x256xf32, #tpu.memory_space<vmem>>
    %dma_start3A_55 = tpu.memref_squeeze %dma_start3A_54 : memref<1x40x256xf32, #tpu.memory_space<vmem>> -> memref<40x256xf32, #tpu.memory_space<vmem>>
    %dma_start3A_56 = arith.constant 0 : i32
    %dma_start3A_57 = tpu.memref_slice %arg5[%dma_start3A_50, %dma_start3A_56] : memref<125x40xi32, #tpu.memory_space<vmem>> -> memref<1x40xi32, #tpu.memory_space<vmem>>
    %dma_start3A_58 = tpu.memref_squeeze %dma_start3A_57 : memref<1x40xi32, #tpu.memory_space<vmem>> -> memref<40xi32, #tpu.memory_space<vmem>>
    %dma_start3A_59 = arith.constant 0 : i32
    %dma_start3A_60 = arith.constant 0 : i32
    %dma_start3A_61 = tpu.memref_slice %arg3[%dma_start3A_59, %dma_start3A_60] : memref<1000x256xf32, #tpu.memory_space<hbm>> -> memref<1000x256xf32, #tpu.memory_space<hbm>>
    tpu.enqueue_indirect_dma source(%dma_start3A_61 : memref<1000x256xf32, #tpu.memory_space<hbm>>) target(%dma_start3A_55 : memref<40x256xf32, #tpu.memory_space<vmem>>) offsets(%dma_start3A_58 : memref<40xi32, #tpu.memory_space<vmem>>) semaphore(%arg11 : memref<!tpu.dma_semaphore, #tpu.memory_space<semaphore_mem>>)
    %scan3A = arith.constant 0 : i32
    %scan3A_62 = arith.constant 0 : i32
    %scan3A_63 = arith.constant 25 : i32
    %scan3A_64 = arith.addi %scan3A_62, %scan3A_63 : i32
    %scan3A_65 = arith.constant 1 : i32
    scf.for %scan3A_131 = %scan3A_62 to %scan3A_64 step %scan3A_65  : i32 {
      %dma_wait3A_132 = arith.constant 0 : i32
      %dma_wait3A_133 = arith.constant 0 : i32
      %dma_wait3A_134 = arith.constant 0 : i32
      %dma_wait3A_135 = arith.constant 0 : i32
      %dma_wait3A_136 = tpu.memref_slice %arg6[%dma_wait3A_133, %dma_wait3A_134, %dma_wait3A_135] : memref<5x40x256xf32, #tpu.memory_space<vmem>> -> memref<1x40x256xf32, #tpu.memory_space<vmem>>
      %dma_wait3A_137 = tpu.memref_squeeze %dma_wait3A_136 : memref<1x40x256xf32, #tpu.memory_space<vmem>> -> memref<40x256xf32, #tpu.memory_space<vmem>>
      %dma_wait3A_138 = arith.constant 0 : i32
      %dma_wait3A_139 = tpu.memref_slice %arg5[%dma_wait3A_132, %dma_wait3A_138] : memref<125x40xi32, #tpu.memory_space<vmem>> -> memref<1x40xi32, #tpu.memory_space<vmem>>
      %dma_wait3A_140 = tpu.memref_squeeze %dma_wait3A_139 : memref<1x40xi32, #tpu.memory_space<vmem>> -> memref<40xi32, #tpu.memory_space<vmem>>
      %dma_wait3A_141 = arith.constant 0 : i32
      %dma_wait3A_142 = arith.constant 0 : i32
      %dma_wait3A_143 = tpu.memref_slice %arg3[%dma_wait3A_141, %dma_wait3A_142] : memref<1000x256xf32, #tpu.memory_space<hbm>> -> memref<1000x256xf32, #tpu.memory_space<hbm>>
      tpu.wait_indirect_dma semaphore(%arg7 : memref<!tpu.dma_semaphore, #tpu.memory_space<semaphore_mem>>) src(%dma_wait3A_143 : memref<1000x256xf32, #tpu.memory_space<hbm>>) dst(%dma_wait3A_137 : memref<40x256xf32, #tpu.memory_space<vmem>>)
      %mul3A_144 = arith.constant 5 : i32
      %mul3A_145 = arith.muli %scan3A_131, %mul3A_144 : i32
      %add3A_146 = arith.constant 0 : i32
      %add3A_147 = arith.addi %mul3A_145, %add3A_146 : i32
      %mul3A_148 = arith.constant 40 : i32
      %mul3A_149 = arith.muli %add3A_147, %mul3A_148 : i32
      %add3A_150 = arith.addi %mul3A_2, %mul3A_149 : i32
      %dma_start3A_151 = arith.constant 0 : i32
      %dma_start3A_152 = arith.constant 0 : i32
      %dma_start3A_153 = arith.constant 0 : i32
      %dma_start3A_154 = tpu.memref_slice %arg6[%dma_start3A_151, %dma_start3A_152, %dma_start3A_153] : memref<5x40x256xf32, #tpu.memory_space<vmem>> -> memref<1x40x256xf32, #tpu.memory_space<vmem>>
      %dma_start3A_155 = tpu.memref_squeeze %dma_start3A_154 : memref<1x40x256xf32, #tpu.memory_space<vmem>> -> memref<40x256xf32, #tpu.memory_space<vmem>>
      %dma_start3A_156 = arith.constant 0 : i32
      %dma_start3A_157 = tpu.memref_slice %arg4[%add3A_150, %dma_start3A_156] : memref<160000x256xf32, #tpu.memory_space<hbm>> -> memref<40x256xf32, #tpu.memory_space<hbm>>
      %dma_start3A_158 = arith.constant 0 : i32
      %dma_start3A_159 = tpu.memref_slice %arg4[%add3A_150, %dma_start3A_158] : memref<160000x256xf32, #tpu.memory_space<hbm>> -> memref<40x256xf32, #tpu.memory_space<hbm>>
      %dma_start3A_160 = arith.constant 0 : i32
      %dma_start3A_161 = arith.constant 0 : i32
      %dma_start3A_162 = tpu.memref_slice %arg6[%dma_start3A_151, %dma_start3A_160, %dma_start3A_161] : memref<5x40x256xf32, #tpu.memory_space<vmem>> -> memref<1x40x256xf32, #tpu.memory_space<vmem>>
      %dma_start3A_163 = tpu.memref_squeeze %dma_start3A_162 : memref<1x40x256xf32, #tpu.memory_space<vmem>> -> memref<40x256xf32, #tpu.memory_space<vmem>>
      tpu.enqueue_dma source(%dma_start3A_163 : memref<40x256xf32, #tpu.memory_space<vmem>>) target(%dma_start3A_159 : memref<40x256xf32, #tpu.memory_space<hbm>>) target_semaphore(%arg12 : memref<!tpu.dma_semaphore, #tpu.memory_space<semaphore_mem>>)
      %dma_wait3A_164 = arith.constant 0 : i32
      %dma_wait3A_165 = arith.constant 1 : i32
      %dma_wait3A_166 = arith.constant 0 : i32
      %dma_wait3A_167 = arith.constant 0 : i32
      %dma_wait3A_168 = tpu.memref_slice %arg6[%dma_wait3A_165, %dma_wait3A_166, %dma_wait3A_167] : memref<5x40x256xf32, #tpu.memory_space<vmem>> -> memref<1x40x256xf32, #tpu.memory_space<vmem>>
      %dma_wait3A_169 = tpu.memref_squeeze %dma_wait3A_168 : memref<1x40x256xf32, #tpu.memory_space<vmem>> -> memref<40x256xf32, #tpu.memory_space<vmem>>
      %dma_wait3A_170 = arith.constant 0 : i32
      %dma_wait3A_171 = tpu.memref_slice %arg5[%dma_wait3A_164, %dma_wait3A_170] : memref<125x40xi32, #tpu.memory_space<vmem>> -> memref<1x40xi32, #tpu.memory_space<vmem>>
      %dma_wait3A_172 = tpu.memref_squeeze %dma_wait3A_171 : memref<1x40xi32, #tpu.memory_space<vmem>> -> memref<40xi32, #tpu.memory_space<vmem>>
      %dma_wait3A_173 = arith.constant 0 : i32
      %dma_wait3A_174 = arith.constant 0 : i32
      %dma_wait3A_175 = tpu.memref_slice %arg3[%dma_wait3A_173, %dma_wait3A_174] : memref<1000x256xf32, #tpu.memory_space<hbm>> -> memref<1000x256xf32, #tpu.memory_space<hbm>>
      tpu.wait_indirect_dma semaphore(%arg8 : memref<!tpu.dma_semaphore, #tpu.memory_space<semaphore_mem>>) src(%dma_wait3A_175 : memref<1000x256xf32, #tpu.memory_space<hbm>>) dst(%dma_wait3A_169 : memref<40x256xf32, #tpu.memory_space<vmem>>)
      %mul3A_176 = arith.constant 5 : i32
      %mul3A_177 = arith.muli %scan3A_131, %mul3A_176 : i32
      %add3A_178 = arith.constant 1 : i32
      %add3A_179 = arith.addi %mul3A_177, %add3A_178 : i32
      %mul3A_180 = arith.constant 40 : i32
      %mul3A_181 = arith.muli %add3A_179, %mul3A_180 : i32
      %add3A_182 = arith.addi %mul3A_2, %mul3A_181 : i32
      %dma_start3A_183 = arith.constant 1 : i32
      %dma_start3A_184 = arith.constant 0 : i32
      %dma_start3A_185 = arith.constant 0 : i32
      %dma_start3A_186 = tpu.memref_slice %arg6[%dma_start3A_183, %dma_start3A_184, %dma_start3A_185] : memref<5x40x256xf32, #tpu.memory_space<vmem>> -> memref<1x40x256xf32, #tpu.memory_space<vmem>>
      %dma_start3A_187 = tpu.memref_squeeze %dma_start3A_186 : memref<1x40x256xf32, #tpu.memory_space<vmem>> -> memref<40x256xf32, #tpu.memory_space<vmem>>
      %dma_start3A_188 = arith.constant 0 : i32
      %dma_start3A_189 = tpu.memref_slice %arg4[%add3A_182, %dma_start3A_188] : memref<160000x256xf32, #tpu.memory_space<hbm>> -> memref<40x256xf32, #tpu.memory_space<hbm>>
      %dma_start3A_190 = arith.constant 0 : i32
      %dma_start3A_191 = tpu.memref_slice %arg4[%add3A_182, %dma_start3A_190] : memref<160000x256xf32, #tpu.memory_space<hbm>> -> memref<40x256xf32, #tpu.memory_space<hbm>>
      %dma_start3A_192 = arith.constant 0 : i32
      %dma_start3A_193 = arith.constant 0 : i32
      %dma_start3A_194 = tpu.memref_slice %arg6[%dma_start3A_183, %dma_start3A_192, %dma_start3A_193] : memref<5x40x256xf32, #tpu.memory_space<vmem>> -> memref<1x40x256xf32, #tpu.memory_space<vmem>>
      %dma_start3A_195 = tpu.memref_squeeze %dma_start3A_194 : memref<1x40x256xf32, #tpu.memory_space<vmem>> -> memref<40x256xf32, #tpu.memory_space<vmem>>
      tpu.enqueue_dma source(%dma_start3A_195 : memref<40x256xf32, #tpu.memory_space<vmem>>) target(%dma_start3A_191 : memref<40x256xf32, #tpu.memory_space<hbm>>) target_semaphore(%arg13 : memref<!tpu.dma_semaphore, #tpu.memory_space<semaphore_mem>>)
      %dma_wait3A_196 = arith.constant 0 : i32
      %dma_wait3A_197 = arith.constant 2 : i32
      %dma_wait3A_198 = arith.constant 0 : i32
      %dma_wait3A_199 = arith.constant 0 : i32
      %dma_wait3A_200 = tpu.memref_slice %arg6[%dma_wait3A_197, %dma_wait3A_198, %dma_wait3A_199] : memref<5x40x256xf32, #tpu.memory_space<vmem>> -> memref<1x40x256xf32, #tpu.memory_space<vmem>>
      %dma_wait3A_201 = tpu.memref_squeeze %dma_wait3A_200 : memref<1x40x256xf32, #tpu.memory_space<vmem>> -> memref<40x256xf32, #tpu.memory_space<vmem>>
      %dma_wait3A_202 = arith.constant 0 : i32
      %dma_wait3A_203 = tpu.memref_slice %arg5[%dma_wait3A_196, %dma_wait3A_202] : memref<125x40xi32, #tpu.memory_space<vmem>> -> memref<1x40xi32, #tpu.memory_space<vmem>>
      %dma_wait3A_204 = tpu.memref_squeeze %dma_wait3A_203 : memref<1x40xi32, #tpu.memory_space<vmem>> -> memref<40xi32, #tpu.memory_space<vmem>>
      %dma_wait3A_205 = arith.constant 0 : i32
      %dma_wait3A_206 = arith.constant 0 : i32
      %dma_wait3A_207 = tpu.memref_slice %arg3[%dma_wait3A_205, %dma_wait3A_206] : memref<1000x256xf32, #tpu.memory_space<hbm>> -> memref<1000x256xf32, #tpu.memory_space<hbm>>
      tpu.wait_indirect_dma semaphore(%arg9 : memref<!tpu.dma_semaphore, #tpu.memory_space<semaphore_mem>>) src(%dma_wait3A_207 : memref<1000x256xf32, #tpu.memory_space<hbm>>) dst(%dma_wait3A_201 : memref<40x256xf32, #tpu.memory_space<vmem>>)
      %mul3A_208 = arith.constant 5 : i32
      %mul3A_209 = arith.muli %scan3A_131, %mul3A_208 : i32
      %add3A_210 = arith.constant 2 : i32
      %add3A_211 = arith.addi %mul3A_209, %add3A_210 : i32
      %mul3A_212 = arith.constant 40 : i32
      %mul3A_213 = arith.muli %add3A_211, %mul3A_212 : i32
      %add3A_214 = arith.addi %mul3A_2, %mul3A_213 : i32
      %dma_start3A_215 = arith.constant 2 : i32
      %dma_start3A_216 = arith.constant 0 : i32
      %dma_start3A_217 = arith.constant 0 : i32
      %dma_start3A_218 = tpu.memref_slice %arg6[%dma_start3A_215, %dma_start3A_216, %dma_start3A_217] : memref<5x40x256xf32, #tpu.memory_space<vmem>> -> memref<1x40x256xf32, #tpu.memory_space<vmem>>
      %dma_start3A_219 = tpu.memref_squeeze %dma_start3A_218 : memref<1x40x256xf32, #tpu.memory_space<vmem>> -> memref<40x256xf32, #tpu.memory_space<vmem>>
      %dma_start3A_220 = arith.constant 0 : i32
      %dma_start3A_221 = tpu.memref_slice %arg4[%add3A_214, %dma_start3A_220] : memref<160000x256xf32, #tpu.memory_space<hbm>> -> memref<40x256xf32, #tpu.memory_space<hbm>>
      %dma_start3A_222 = arith.constant 0 : i32
      %dma_start3A_223 = tpu.memref_slice %arg4[%add3A_214, %dma_start3A_222] : memref<160000x256xf32, #tpu.memory_space<hbm>> -> memref<40x256xf32, #tpu.memory_space<hbm>>
      %dma_start3A_224 = arith.constant 0 : i32
      %dma_start3A_225 = arith.constant 0 : i32
      %dma_start3A_226 = tpu.memref_slice %arg6[%dma_start3A_215, %dma_start3A_224, %dma_start3A_225] : memref<5x40x256xf32, #tpu.memory_space<vmem>> -> memref<1x40x256xf32, #tpu.memory_space<vmem>>
      %dma_start3A_227 = tpu.memref_squeeze %dma_start3A_226 : memref<1x40x256xf32, #tpu.memory_space<vmem>> -> memref<40x256xf32, #tpu.memory_space<vmem>>
      tpu.enqueue_dma source(%dma_start3A_227 : memref<40x256xf32, #tpu.memory_space<vmem>>) target(%dma_start3A_223 : memref<40x256xf32, #tpu.memory_space<hbm>>) target_semaphore(%arg14 : memref<!tpu.dma_semaphore, #tpu.memory_space<semaphore_mem>>)
      %dma_wait3A_228 = arith.constant 0 : i32
      %dma_wait3A_229 = arith.constant 3 : i32
      %dma_wait3A_230 = arith.constant 0 : i32
      %dma_wait3A_231 = arith.constant 0 : i32
      %dma_wait3A_232 = tpu.memref_slice %arg6[%dma_wait3A_229, %dma_wait3A_230, %dma_wait3A_231] : memref<5x40x256xf32, #tpu.memory_space<vmem>> -> memref<1x40x256xf32, #tpu.memory_space<vmem>>
      %dma_wait3A_233 = tpu.memref_squeeze %dma_wait3A_232 : memref<1x40x256xf32, #tpu.memory_space<vmem>> -> memref<40x256xf32, #tpu.memory_space<vmem>>
      %dma_wait3A_234 = arith.constant 0 : i32
      %dma_wait3A_235 = tpu.memref_slice %arg5[%dma_wait3A_228, %dma_wait3A_234] : memref<125x40xi32, #tpu.memory_space<vmem>> -> memref<1x40xi32, #tpu.memory_space<vmem>>
      %dma_wait3A_236 = tpu.memref_squeeze %dma_wait3A_235 : memref<1x40xi32, #tpu.memory_space<vmem>> -> memref<40xi32, #tpu.memory_space<vmem>>
      %dma_wait3A_237 = arith.constant 0 : i32
      %dma_wait3A_238 = arith.constant 0 : i32
      %dma_wait3A_239 = tpu.memref_slice %arg3[%dma_wait3A_237, %dma_wait3A_238] : memref<1000x256xf32, #tpu.memory_space<hbm>> -> memref<1000x256xf32, #tpu.memory_space<hbm>>
      tpu.wait_indirect_dma semaphore(%arg10 : memref<!tpu.dma_semaphore, #tpu.memory_space<semaphore_mem>>) src(%dma_wait3A_239 : memref<1000x256xf32, #tpu.memory_space<hbm>>) dst(%dma_wait3A_233 : memref<40x256xf32, #tpu.memory_space<vmem>>)
      %mul3A_240 = arith.constant 5 : i32
      %mul3A_241 = arith.muli %scan3A_131, %mul3A_240 : i32
      %add3A_242 = arith.constant 3 : i32
      %add3A_243 = arith.addi %mul3A_241, %add3A_242 : i32
      %mul3A_244 = arith.constant 40 : i32
      %mul3A_245 = arith.muli %add3A_243, %mul3A_244 : i32
      %add3A_246 = arith.addi %mul3A_2, %mul3A_245 : i32
      %dma_start3A_247 = arith.constant 3 : i32
      %dma_start3A_248 = arith.constant 0 : i32
      %dma_start3A_249 = arith.constant 0 : i32
      %dma_start3A_250 = tpu.memref_slice %arg6[%dma_start3A_247, %dma_start3A_248, %dma_start3A_249] : memref<5x40x256xf32, #tpu.memory_space<vmem>> -> memref<1x40x256xf32, #tpu.memory_space<vmem>>
      %dma_start3A_251 = tpu.memref_squeeze %dma_start3A_250 : memref<1x40x256xf32, #tpu.memory_space<vmem>> -> memref<40x256xf32, #tpu.memory_space<vmem>>
      %dma_start3A_252 = arith.constant 0 : i32
      %dma_start3A_253 = tpu.memref_slice %arg4[%add3A_246, %dma_start3A_252] : memref<160000x256xf32, #tpu.memory_space<hbm>> -> memref<40x256xf32, #tpu.memory_space<hbm>>
      %dma_start3A_254 = arith.constant 0 : i32
      %dma_start3A_255 = tpu.memref_slice %arg4[%add3A_246, %dma_start3A_254] : memref<160000x256xf32, #tpu.memory_space<hbm>> -> memref<40x256xf32, #tpu.memory_space<hbm>>
      %dma_start3A_256 = arith.constant 0 : i32
      %dma_start3A_257 = arith.constant 0 : i32
      %dma_start3A_258 = tpu.memref_slice %arg6[%dma_start3A_247, %dma_start3A_256, %dma_start3A_257] : memref<5x40x256xf32, #tpu.memory_space<vmem>> -> memref<1x40x256xf32, #tpu.memory_space<vmem>>
      %dma_start3A_259 = tpu.memref_squeeze %dma_start3A_258 : memref<1x40x256xf32, #tpu.memory_space<vmem>> -> memref<40x256xf32, #tpu.memory_space<vmem>>
      tpu.enqueue_dma source(%dma_start3A_259 : memref<40x256xf32, #tpu.memory_space<vmem>>) target(%dma_start3A_255 : memref<40x256xf32, #tpu.memory_space<hbm>>) target_semaphore(%arg15 : memref<!tpu.dma_semaphore, #tpu.memory_space<semaphore_mem>>)
      %dma_wait3A_260 = arith.constant 0 : i32
      %dma_wait3A_261 = arith.constant 4 : i32
      %dma_wait3A_262 = arith.constant 0 : i32
      %dma_wait3A_263 = arith.constant 0 : i32
      %dma_wait3A_264 = tpu.memref_slice %arg6[%dma_wait3A_261, %dma_wait3A_262, %dma_wait3A_263] : memref<5x40x256xf32, #tpu.memory_space<vmem>> -> memref<1x40x256xf32, #tpu.memory_space<vmem>>
      %dma_wait3A_265 = tpu.memref_squeeze %dma_wait3A_264 : memref<1x40x256xf32, #tpu.memory_space<vmem>> -> memref<40x256xf32, #tpu.memory_space<vmem>>
      %dma_wait3A_266 = arith.constant 0 : i32
      %dma_wait3A_267 = tpu.memref_slice %arg5[%dma_wait3A_260, %dma_wait3A_266] : memref<125x40xi32, #tpu.memory_space<vmem>> -> memref<1x40xi32, #tpu.memory_space<vmem>>
      %dma_wait3A_268 = tpu.memref_squeeze %dma_wait3A_267 : memref<1x40xi32, #tpu.memory_space<vmem>> -> memref<40xi32, #tpu.memory_space<vmem>>
      %dma_wait3A_269 = arith.constant 0 : i32
      %dma_wait3A_270 = arith.constant 0 : i32
      %dma_wait3A_271 = tpu.memref_slice %arg3[%dma_wait3A_269, %dma_wait3A_270] : memref<1000x256xf32, #tpu.memory_space<hbm>> -> memref<1000x256xf32, #tpu.memory_space<hbm>>
      tpu.wait_indirect_dma semaphore(%arg11 : memref<!tpu.dma_semaphore, #tpu.memory_space<semaphore_mem>>) src(%dma_wait3A_271 : memref<1000x256xf32, #tpu.memory_space<hbm>>) dst(%dma_wait3A_265 : memref<40x256xf32, #tpu.memory_space<vmem>>)
      %mul3A_272 = arith.constant 5 : i32
      %mul3A_273 = arith.muli %scan3A_131, %mul3A_272 : i32
      %add3A_274 = arith.constant 4 : i32
      %add3A_275 = arith.addi %mul3A_273, %add3A_274 : i32
      %mul3A_276 = arith.constant 40 : i32
      %mul3A_277 = arith.muli %add3A_275, %mul3A_276 : i32
      %add3A_278 = arith.addi %mul3A_2, %mul3A_277 : i32
      %dma_start3A_279 = arith.constant 4 : i32
      %dma_start3A_280 = arith.constant 0 : i32
      %dma_start3A_281 = arith.constant 0 : i32
      %dma_start3A_282 = tpu.memref_slice %arg6[%dma_start3A_279, %dma_start3A_280, %dma_start3A_281] : memref<5x40x256xf32, #tpu.memory_space<vmem>> -> memref<1x40x256xf32, #tpu.memory_space<vmem>>
      %dma_start3A_283 = tpu.memref_squeeze %dma_start3A_282 : memref<1x40x256xf32, #tpu.memory_space<vmem>> -> memref<40x256xf32, #tpu.memory_space<vmem>>
      %dma_start3A_284 = arith.constant 0 : i32
      %dma_start3A_285 = tpu.memref_slice %arg4[%add3A_278, %dma_start3A_284] : memref<160000x256xf32, #tpu.memory_space<hbm>> -> memref<40x256xf32, #tpu.memory_space<hbm>>
      %dma_start3A_286 = arith.constant 0 : i32
      %dma_start3A_287 = tpu.memref_slice %arg4[%add3A_278, %dma_start3A_286] : memref<160000x256xf32, #tpu.memory_space<hbm>> -> memref<40x256xf32, #tpu.memory_space<hbm>>
      %dma_start3A_288 = arith.constant 0 : i32
      %dma_start3A_289 = arith.constant 0 : i32
      %dma_start3A_290 = tpu.memref_slice %arg6[%dma_start3A_279, %dma_start3A_288, %dma_start3A_289] : memref<5x40x256xf32, #tpu.memory_space<vmem>> -> memref<1x40x256xf32, #tpu.memory_space<vmem>>
      %dma_start3A_291 = tpu.memref_squeeze %dma_start3A_290 : memref<1x40x256xf32, #tpu.memory_space<vmem>> -> memref<40x256xf32, #tpu.memory_space<vmem>>
      tpu.enqueue_dma source(%dma_start3A_291 : memref<40x256xf32, #tpu.memory_space<vmem>>) target(%dma_start3A_287 : memref<40x256xf32, #tpu.memory_space<hbm>>) target_semaphore(%arg16 : memref<!tpu.dma_semaphore, #tpu.memory_space<semaphore_mem>>)
      %lt3A = arith.constant 24 : i32
      %lt3A_292 = arith.cmpi slt, %scan3A_131, %lt3A : i32
      %convert_element_type3A = arith.extui %lt3A_292 : i1 to i32
      %cond3A = arith.constant 0 : i32
      %cond3A_293 = arith.cmpi ne, %convert_element_type3A, %cond3A : i32
      scf.if %cond3A_293 {
        %dma_wait3A_294 = arith.constant 0 : i32
        %dma_wait3A_295 = arith.constant 0 : i32
        %dma_wait3A_296 = arith.constant 0 : i32
        %dma_wait3A_297 = tpu.memref_slice %arg6[%dma_wait3A_294, %dma_wait3A_295, %dma_wait3A_296] : memref<5x40x256xf32, #tpu.memory_space<vmem>> -> memref<1x40x256xf32, #tpu.memory_space<vmem>>
        %dma_wait3A_298 = tpu.memref_squeeze %dma_wait3A_297 : memref<1x40x256xf32, #tpu.memory_space<vmem>> -> memref<40x256xf32, #tpu.memory_space<vmem>>
        %dma_wait3A_299 = arith.constant 0 : i32
        %dma_wait3A_300 = tpu.memref_slice %arg4[%mul3A_2, %dma_wait3A_299] : memref<160000x256xf32, #tpu.memory_space<hbm>> -> memref<40x256xf32, #tpu.memory_space<hbm>>
        %dma_wait3A_301 = arith.constant 0 : i32
        %dma_wait3A_302 = tpu.memref_slice %arg4[%mul3A_2, %dma_wait3A_301] : memref<160000x256xf32, #tpu.memory_space<hbm>> -> memref<40x256xf32, #tpu.memory_space<hbm>>
        %dma_wait3A_303 = arith.constant 0 : i32
        %dma_wait3A_304 = arith.constant 0 : i32
        %dma_wait3A_305 = tpu.memref_slice %arg6[%dma_wait3A_294, %dma_wait3A_303, %dma_wait3A_304] : memref<5x40x256xf32, #tpu.memory_space<vmem>> -> memref<1x40x256xf32, #tpu.memory_space<vmem>>
        %dma_wait3A_306 = tpu.memref_squeeze %dma_wait3A_305 : memref<1x40x256xf32, #tpu.memory_space<vmem>> -> memref<40x256xf32, #tpu.memory_space<vmem>>
        tpu.wait_dma2 semaphore(%arg12 : memref<!tpu.dma_semaphore, #tpu.memory_space<semaphore_mem>>) src(%dma_wait3A_306 : memref<40x256xf32, #tpu.memory_space<vmem>>) dst(%dma_wait3A_302 : memref<40x256xf32, #tpu.memory_space<hbm>>)
        %add3A_307 = arith.constant 1 : i32
        %add3A_308 = arith.addi %scan3A_131, %add3A_307 : i32
        %mul3A_309 = arith.constant 5 : i32
        %mul3A_310 = arith.muli %add3A_308, %mul3A_309 : i32
        %add3A_311 = arith.constant 0 : i32
        %add3A_312 = arith.addi %mul3A_310, %add3A_311 : i32
        %dma_start3A_313 = arith.constant 0 : i32
        %dma_start3A_314 = arith.constant 0 : i32
        %dma_start3A_315 = arith.constant 0 : i32
        %dma_start3A_316 = tpu.memref_slice %arg6[%dma_start3A_313, %dma_start3A_314, %dma_start3A_315] : memref<5x40x256xf32, #tpu.memory_space<vmem>> -> memref<1x40x256xf32, #tpu.memory_space<vmem>>
        %dma_start3A_317 = tpu.memref_squeeze %dma_start3A_316 : memref<1x40x256xf32, #tpu.memory_space<vmem>> -> memref<40x256xf32, #tpu.memory_space<vmem>>
        %dma_start3A_318 = arith.constant 0 : i32
        %dma_start3A_319 = tpu.memref_slice %arg5[%add3A_312, %dma_start3A_318] : memref<125x40xi32, #tpu.memory_space<vmem>> -> memref<1x40xi32, #tpu.memory_space<vmem>>
        %dma_start3A_320 = tpu.memref_squeeze %dma_start3A_319 : memref<1x40xi32, #tpu.memory_space<vmem>> -> memref<40xi32, #tpu.memory_space<vmem>>
        %dma_start3A_321 = arith.constant 0 : i32
        %dma_start3A_322 = arith.constant 0 : i32
        %dma_start3A_323 = tpu.memref_slice %arg3[%dma_start3A_321, %dma_start3A_322] : memref<1000x256xf32, #tpu.memory_space<hbm>> -> memref<1000x256xf32, #tpu.memory_space<hbm>>
        tpu.enqueue_indirect_dma source(%dma_start3A_323 : memref<1000x256xf32, #tpu.memory_space<hbm>>) target(%dma_start3A_317 : memref<40x256xf32, #tpu.memory_space<vmem>>) offsets(%dma_start3A_320 : memref<40xi32, #tpu.memory_space<vmem>>) semaphore(%arg7 : memref<!tpu.dma_semaphore, #tpu.memory_space<semaphore_mem>>)
        %dma_wait3A_324 = arith.constant 1 : i32
        %dma_wait3A_325 = arith.constant 0 : i32
        %dma_wait3A_326 = arith.constant 0 : i32
        %dma_wait3A_327 = tpu.memref_slice %arg6[%dma_wait3A_324, %dma_wait3A_325, %dma_wait3A_326] : memref<5x40x256xf32, #tpu.memory_space<vmem>> -> memref<1x40x256xf32, #tpu.memory_space<vmem>>
        %dma_wait3A_328 = tpu.memref_squeeze %dma_wait3A_327 : memref<1x40x256xf32, #tpu.memory_space<vmem>> -> memref<40x256xf32, #tpu.memory_space<vmem>>
        %dma_wait3A_329 = arith.constant 0 : i32
        %dma_wait3A_330 = tpu.memref_slice %arg4[%mul3A_2, %dma_wait3A_329] : memref<160000x256xf32, #tpu.memory_space<hbm>> -> memref<40x256xf32, #tpu.memory_space<hbm>>
        %dma_wait3A_331 = arith.constant 0 : i32
        %dma_wait3A_332 = tpu.memref_slice %arg4[%mul3A_2, %dma_wait3A_331] : memref<160000x256xf32, #tpu.memory_space<hbm>> -> memref<40x256xf32, #tpu.memory_space<hbm>>
        %dma_wait3A_333 = arith.constant 0 : i32
        %dma_wait3A_334 = arith.constant 0 : i32
        %dma_wait3A_335 = tpu.memref_slice %arg6[%dma_wait3A_324, %dma_wait3A_333, %dma_wait3A_334] : memref<5x40x256xf32, #tpu.memory_space<vmem>> -> memref<1x40x256xf32, #tpu.memory_space<vmem>>
        %dma_wait3A_336 = tpu.memref_squeeze %dma_wait3A_335 : memref<1x40x256xf32, #tpu.memory_space<vmem>> -> memref<40x256xf32, #tpu.memory_space<vmem>>
        tpu.wait_dma2 semaphore(%arg13 : memref<!tpu.dma_semaphore, #tpu.memory_space<semaphore_mem>>) src(%dma_wait3A_336 : memref<40x256xf32, #tpu.memory_space<vmem>>) dst(%dma_wait3A_332 : memref<40x256xf32, #tpu.memory_space<hbm>>)
        %add3A_337 = arith.constant 1 : i32
        %add3A_338 = arith.addi %scan3A_131, %add3A_337 : i32
        %mul3A_339 = arith.constant 5 : i32
        %mul3A_340 = arith.muli %add3A_338, %mul3A_339 : i32
        %add3A_341 = arith.constant 1 : i32
        %add3A_342 = arith.addi %mul3A_340, %add3A_341 : i32
        %dma_start3A_343 = arith.constant 1 : i32
        %dma_start3A_344 = arith.constant 0 : i32
        %dma_start3A_345 = arith.constant 0 : i32
        %dma_start3A_346 = tpu.memref_slice %arg6[%dma_start3A_343, %dma_start3A_344, %dma_start3A_345] : memref<5x40x256xf32, #tpu.memory_space<vmem>> -> memref<1x40x256xf32, #tpu.memory_space<vmem>>
        %dma_start3A_347 = tpu.memref_squeeze %dma_start3A_346 : memref<1x40x256xf32, #tpu.memory_space<vmem>> -> memref<40x256xf32, #tpu.memory_space<vmem>>
        %dma_start3A_348 = arith.constant 0 : i32
        %dma_start3A_349 = tpu.memref_slice %arg5[%add3A_342, %dma_start3A_348] : memref<125x40xi32, #tpu.memory_space<vmem>> -> memref<1x40xi32, #tpu.memory_space<vmem>>
        %dma_start3A_350 = tpu.memref_squeeze %dma_start3A_349 : memref<1x40xi32, #tpu.memory_space<vmem>> -> memref<40xi32, #tpu.memory_space<vmem>>
        %dma_start3A_351 = arith.constant 0 : i32
        %dma_start3A_352 = arith.constant 0 : i32
        %dma_start3A_353 = tpu.memref_slice %arg3[%dma_start3A_351, %dma_start3A_352] : memref<1000x256xf32, #tpu.memory_space<hbm>> -> memref<1000x256xf32, #tpu.memory_space<hbm>>
        tpu.enqueue_indirect_dma source(%dma_start3A_353 : memref<1000x256xf32, #tpu.memory_space<hbm>>) target(%dma_start3A_347 : memref<40x256xf32, #tpu.memory_space<vmem>>) offsets(%dma_start3A_350 : memref<40xi32, #tpu.memory_space<vmem>>) semaphore(%arg8 : memref<!tpu.dma_semaphore, #tpu.memory_space<semaphore_mem>>)
        %dma_wait3A_354 = arith.constant 2 : i32
        %dma_wait3A_355 = arith.constant 0 : i32
        %dma_wait3A_356 = arith.constant 0 : i32
        %dma_wait3A_357 = tpu.memref_slice %arg6[%dma_wait3A_354, %dma_wait3A_355, %dma_wait3A_356] : memref<5x40x256xf32, #tpu.memory_space<vmem>> -> memref<1x40x256xf32, #tpu.memory_space<vmem>>
        %dma_wait3A_358 = tpu.memref_squeeze %dma_wait3A_357 : memref<1x40x256xf32, #tpu.memory_space<vmem>> -> memref<40x256xf32, #tpu.memory_space<vmem>>
        %dma_wait3A_359 = arith.constant 0 : i32
        %dma_wait3A_360 = tpu.memref_slice %arg4[%mul3A_2, %dma_wait3A_359] : memref<160000x256xf32, #tpu.memory_space<hbm>> -> memref<40x256xf32, #tpu.memory_space<hbm>>
        %dma_wait3A_361 = arith.constant 0 : i32
        %dma_wait3A_362 = tpu.memref_slice %arg4[%mul3A_2, %dma_wait3A_361] : memref<160000x256xf32, #tpu.memory_space<hbm>> -> memref<40x256xf32, #tpu.memory_space<hbm>>
        %dma_wait3A_363 = arith.constant 0 : i32
        %dma_wait3A_364 = arith.constant 0 : i32
        %dma_wait3A_365 = tpu.memref_slice %arg6[%dma_wait3A_354, %dma_wait3A_363, %dma_wait3A_364] : memref<5x40x256xf32, #tpu.memory_space<vmem>> -> memref<1x40x256xf32, #tpu.memory_space<vmem>>
        %dma_wait3A_366 = tpu.memref_squeeze %dma_wait3A_365 : memref<1x40x256xf32, #tpu.memory_space<vmem>> -> memref<40x256xf32, #tpu.memory_space<vmem>>
        tpu.wait_dma2 semaphore(%arg14 : memref<!tpu.dma_semaphore, #tpu.memory_space<semaphore_mem>>) src(%dma_wait3A_366 : memref<40x256xf32, #tpu.memory_space<vmem>>) dst(%dma_wait3A_362 : memref<40x256xf32, #tpu.memory_space<hbm>>)
        %add3A_367 = arith.constant 1 : i32
        %add3A_368 = arith.addi %scan3A_131, %add3A_367 : i32
        %mul3A_369 = arith.constant 5 : i32
        %mul3A_370 = arith.muli %add3A_368, %mul3A_369 : i32
        %add3A_371 = arith.constant 2 : i32
        %add3A_372 = arith.addi %mul3A_370, %add3A_371 : i32
        %dma_start3A_373 = arith.constant 2 : i32
        %dma_start3A_374 = arith.constant 0 : i32
        %dma_start3A_375 = arith.constant 0 : i32
        %dma_start3A_376 = tpu.memref_slice %arg6[%dma_start3A_373, %dma_start3A_374, %dma_start3A_375] : memref<5x40x256xf32, #tpu.memory_space<vmem>> -> memref<1x40x256xf32, #tpu.memory_space<vmem>>
        %dma_start3A_377 = tpu.memref_squeeze %dma_start3A_376 : memref<1x40x256xf32, #tpu.memory_space<vmem>> -> memref<40x256xf32, #tpu.memory_space<vmem>>
        %dma_start3A_378 = arith.constant 0 : i32
        %dma_start3A_379 = tpu.memref_slice %arg5[%add3A_372, %dma_start3A_378] : memref<125x40xi32, #tpu.memory_space<vmem>> -> memref<1x40xi32, #tpu.memory_space<vmem>>
        %dma_start3A_380 = tpu.memref_squeeze %dma_start3A_379 : memref<1x40xi32, #tpu.memory_space<vmem>> -> memref<40xi32, #tpu.memory_space<vmem>>
        %dma_start3A_381 = arith.constant 0 : i32
        %dma_start3A_382 = arith.constant 0 : i32
        %dma_start3A_383 = tpu.memref_slice %arg3[%dma_start3A_381, %dma_start3A_382] : memref<1000x256xf32, #tpu.memory_space<hbm>> -> memref<1000x256xf32, #tpu.memory_space<hbm>>
        tpu.enqueue_indirect_dma source(%dma_start3A_383 : memref<1000x256xf32, #tpu.memory_space<hbm>>) target(%dma_start3A_377 : memref<40x256xf32, #tpu.memory_space<vmem>>) offsets(%dma_start3A_380 : memref<40xi32, #tpu.memory_space<vmem>>) semaphore(%arg9 : memref<!tpu.dma_semaphore, #tpu.memory_space<semaphore_mem>>)
        %dma_wait3A_384 = arith.constant 3 : i32
        %dma_wait3A_385 = arith.constant 0 : i32
        %dma_wait3A_386 = arith.constant 0 : i32
        %dma_wait3A_387 = tpu.memref_slice %arg6[%dma_wait3A_384, %dma_wait3A_385, %dma_wait3A_386] : memref<5x40x256xf32, #tpu.memory_space<vmem>> -> memref<1x40x256xf32, #tpu.memory_space<vmem>>
        %dma_wait3A_388 = tpu.memref_squeeze %dma_wait3A_387 : memref<1x40x256xf32, #tpu.memory_space<vmem>> -> memref<40x256xf32, #tpu.memory_space<vmem>>
        %dma_wait3A_389 = arith.constant 0 : i32
        %dma_wait3A_390 = tpu.memref_slice %arg4[%mul3A_2, %dma_wait3A_389] : memref<160000x256xf32, #tpu.memory_space<hbm>> -> memref<40x256xf32, #tpu.memory_space<hbm>>
        %dma_wait3A_391 = arith.constant 0 : i32
        %dma_wait3A_392 = tpu.memref_slice %arg4[%mul3A_2, %dma_wait3A_391] : memref<160000x256xf32, #tpu.memory_space<hbm>> -> memref<40x256xf32, #tpu.memory_space<hbm>>
        %dma_wait3A_393 = arith.constant 0 : i32
        %dma_wait3A_394 = arith.constant 0 : i32
        %dma_wait3A_395 = tpu.memref_slice %arg6[%dma_wait3A_384, %dma_wait3A_393, %dma_wait3A_394] : memref<5x40x256xf32, #tpu.memory_space<vmem>> -> memref<1x40x256xf32, #tpu.memory_space<vmem>>
        %dma_wait3A_396 = tpu.memref_squeeze %dma_wait3A_395 : memref<1x40x256xf32, #tpu.memory_space<vmem>> -> memref<40x256xf32, #tpu.memory_space<vmem>>
        tpu.wait_dma2 semaphore(%arg15 : memref<!tpu.dma_semaphore, #tpu.memory_space<semaphore_mem>>) src(%dma_wait3A_396 : memref<40x256xf32, #tpu.memory_space<vmem>>) dst(%dma_wait3A_392 : memref<40x256xf32, #tpu.memory_space<hbm>>)
        %add3A_397 = arith.constant 1 : i32
        %add3A_398 = arith.addi %scan3A_131, %add3A_397 : i32
        %mul3A_399 = arith.constant 5 : i32
        %mul3A_400 = arith.muli %add3A_398, %mul3A_399 : i32
        %add3A_401 = arith.constant 3 : i32
        %add3A_402 = arith.addi %mul3A_400, %add3A_401 : i32
        %dma_start3A_403 = arith.constant 3 : i32
        %dma_start3A_404 = arith.constant 0 : i32
        %dma_start3A_405 = arith.constant 0 : i32
        %dma_start3A_406 = tpu.memref_slice %arg6[%dma_start3A_403, %dma_start3A_404, %dma_start3A_405] : memref<5x40x256xf32, #tpu.memory_space<vmem>> -> memref<1x40x256xf32, #tpu.memory_space<vmem>>
        %dma_start3A_407 = tpu.memref_squeeze %dma_start3A_406 : memref<1x40x256xf32, #tpu.memory_space<vmem>> -> memref<40x256xf32, #tpu.memory_space<vmem>>
        %dma_start3A_408 = arith.constant 0 : i32
        %dma_start3A_409 = tpu.memref_slice %arg5[%add3A_402, %dma_start3A_408] : memref<125x40xi32, #tpu.memory_space<vmem>> -> memref<1x40xi32, #tpu.memory_space<vmem>>
        %dma_start3A_410 = tpu.memref_squeeze %dma_start3A_409 : memref<1x40xi32, #tpu.memory_space<vmem>> -> memref<40xi32, #tpu.memory_space<vmem>>
        %dma_start3A_411 = arith.constant 0 : i32
        %dma_start3A_412 = arith.constant 0 : i32
        %dma_start3A_413 = tpu.memref_slice %arg3[%dma_start3A_411, %dma_start3A_412] : memref<1000x256xf32, #tpu.memory_space<hbm>> -> memref<1000x256xf32, #tpu.memory_space<hbm>>
        tpu.enqueue_indirect_dma source(%dma_start3A_413 : memref<1000x256xf32, #tpu.memory_space<hbm>>) target(%dma_start3A_407 : memref<40x256xf32, #tpu.memory_space<vmem>>) offsets(%dma_start3A_410 : memref<40xi32, #tpu.memory_space<vmem>>) semaphore(%arg10 : memref<!tpu.dma_semaphore, #tpu.memory_space<semaphore_mem>>)
        %dma_wait3A_414 = arith.constant 4 : i32
        %dma_wait3A_415 = arith.constant 0 : i32
        %dma_wait3A_416 = arith.constant 0 : i32
        %dma_wait3A_417 = tpu.memref_slice %arg6[%dma_wait3A_414, %dma_wait3A_415, %dma_wait3A_416] : memref<5x40x256xf32, #tpu.memory_space<vmem>> -> memref<1x40x256xf32, #tpu.memory_space<vmem>>
        %dma_wait3A_418 = tpu.memref_squeeze %dma_wait3A_417 : memref<1x40x256xf32, #tpu.memory_space<vmem>> -> memref<40x256xf32, #tpu.memory_space<vmem>>
        %dma_wait3A_419 = arith.constant 0 : i32
        %dma_wait3A_420 = tpu.memref_slice %arg4[%mul3A_2, %dma_wait3A_419] : memref<160000x256xf32, #tpu.memory_space<hbm>> -> memref<40x256xf32, #tpu.memory_space<hbm>>
        %dma_wait3A_421 = arith.constant 0 : i32
        %dma_wait3A_422 = tpu.memref_slice %arg4[%mul3A_2, %dma_wait3A_421] : memref<160000x256xf32, #tpu.memory_space<hbm>> -> memref<40x256xf32, #tpu.memory_space<hbm>>
        %dma_wait3A_423 = arith.constant 0 : i32
        %dma_wait3A_424 = arith.constant 0 : i32
        %dma_wait3A_425 = tpu.memref_slice %arg6[%dma_wait3A_414, %dma_wait3A_423, %dma_wait3A_424] : memref<5x40x256xf32, #tpu.memory_space<vmem>> -> memref<1x40x256xf32, #tpu.memory_space<vmem>>
        %dma_wait3A_426 = tpu.memref_squeeze %dma_wait3A_425 : memref<1x40x256xf32, #tpu.memory_space<vmem>> -> memref<40x256xf32, #tpu.memory_space<vmem>>
        tpu.wait_dma2 semaphore(%arg16 : memref<!tpu.dma_semaphore, #tpu.memory_space<semaphore_mem>>) src(%dma_wait3A_426 : memref<40x256xf32, #tpu.memory_space<vmem>>) dst(%dma_wait3A_422 : memref<40x256xf32, #tpu.memory_space<hbm>>)
        %add3A_427 = arith.constant 1 : i32
        %add3A_428 = arith.addi %scan3A_131, %add3A_427 : i32
        %mul3A_429 = arith.constant 5 : i32
        %mul3A_430 = arith.muli %add3A_428, %mul3A_429 : i32
        %add3A_431 = arith.constant 4 : i32
        %add3A_432 = arith.addi %mul3A_430, %add3A_431 : i32
        %dma_start3A_433 = arith.constant 4 : i32
        %dma_start3A_434 = arith.constant 0 : i32
        %dma_start3A_435 = arith.constant 0 : i32
        %dma_start3A_436 = tpu.memref_slice %arg6[%dma_start3A_433, %dma_start3A_434, %dma_start3A_435] : memref<5x40x256xf32, #tpu.memory_space<vmem>> -> memref<1x40x256xf32, #tpu.memory_space<vmem>>
        %dma_start3A_437 = tpu.memref_squeeze %dma_start3A_436 : memref<1x40x256xf32, #tpu.memory_space<vmem>> -> memref<40x256xf32, #tpu.memory_space<vmem>>
        %dma_start3A_438 = arith.constant 0 : i32
        %dma_start3A_439 = tpu.memref_slice %arg5[%add3A_432, %dma_start3A_438] : memref<125x40xi32, #tpu.memory_space<vmem>> -> memref<1x40xi32, #tpu.memory_space<vmem>>
        %dma_start3A_440 = tpu.memref_squeeze %dma_start3A_439 : memref<1x40xi32, #tpu.memory_space<vmem>> -> memref<40xi32, #tpu.memory_space<vmem>>
        %dma_start3A_441 = arith.constant 0 : i32
        %dma_start3A_442 = arith.constant 0 : i32
        %dma_start3A_443 = tpu.memref_slice %arg3[%dma_start3A_441, %dma_start3A_442] : memref<1000x256xf32, #tpu.memory_space<hbm>> -> memref<1000x256xf32, #tpu.memory_space<hbm>>
        tpu.enqueue_indirect_dma source(%dma_start3A_443 : memref<1000x256xf32, #tpu.memory_space<hbm>>) target(%dma_start3A_437 : memref<40x256xf32, #tpu.memory_space<vmem>>) offsets(%dma_start3A_440 : memref<40xi32, #tpu.memory_space<vmem>>) semaphore(%arg11 : memref<!tpu.dma_semaphore, #tpu.memory_space<semaphore_mem>>)
      } else {
      }
    }
    %scan3A_66 = arith.constant 25 : i32
    %dma_wait3A = arith.constant 0 : i32
    %dma_wait3A_67 = arith.constant 0 : i32
    %dma_wait3A_68 = arith.constant 0 : i32
    %dma_wait3A_69 = tpu.memref_slice %arg6[%dma_wait3A, %dma_wait3A_67, %dma_wait3A_68] : memref<5x40x256xf32, #tpu.memory_space<vmem>> -> memref<1x40x256xf32, #tpu.memory_space<vmem>>
    %dma_wait3A_70 = tpu.memref_squeeze %dma_wait3A_69 : memref<1x40x256xf32, #tpu.memory_space<vmem>> -> memref<40x256xf32, #tpu.memory_space<vmem>>
    %dma_wait3A_71 = arith.constant 0 : i32
    %dma_wait3A_72 = tpu.memref_slice %arg4[%mul3A_2, %dma_wait3A_71] : memref<160000x256xf32, #tpu.memory_space<hbm>> -> memref<40x256xf32, #tpu.memory_space<hbm>>
    %dma_wait3A_73 = arith.constant 0 : i32
    %dma_wait3A_74 = tpu.memref_slice %arg4[%mul3A_2, %dma_wait3A_73] : memref<160000x256xf32, #tpu.memory_space<hbm>> -> memref<40x256xf32, #tpu.memory_space<hbm>>
    %dma_wait3A_75 = arith.constant 0 : i32
    %dma_wait3A_76 = arith.constant 0 : i32
    %dma_wait3A_77 = tpu.memref_slice %arg6[%dma_wait3A, %dma_wait3A_75, %dma_wait3A_76] : memref<5x40x256xf32, #tpu.memory_space<vmem>> -> memref<1x40x256xf32, #tpu.memory_space<vmem>>
    %dma_wait3A_78 = tpu.memref_squeeze %dma_wait3A_77 : memref<1x40x256xf32, #tpu.memory_space<vmem>> -> memref<40x256xf32, #tpu.memory_space<vmem>>
    tpu.wait_dma2 semaphore(%arg12 : memref<!tpu.dma_semaphore, #tpu.memory_space<semaphore_mem>>) src(%dma_wait3A_78 : memref<40x256xf32, #tpu.memory_space<vmem>>) dst(%dma_wait3A_74 : memref<40x256xf32, #tpu.memory_space<hbm>>)
    %dma_wait3A_79 = arith.constant 1 : i32
    %dma_wait3A_80 = arith.constant 0 : i32
    %dma_wait3A_81 = arith.constant 0 : i32
    %dma_wait3A_82 = tpu.memref_slice %arg6[%dma_wait3A_79, %dma_wait3A_80, %dma_wait3A_81] : memref<5x40x256xf32, #tpu.memory_space<vmem>> -> memref<1x40x256xf32, #tpu.memory_space<vmem>>
    %dma_wait3A_83 = tpu.memref_squeeze %dma_wait3A_82 : memref<1x40x256xf32, #tpu.memory_space<vmem>> -> memref<40x256xf32, #tpu.memory_space<vmem>>
    %dma_wait3A_84 = arith.constant 0 : i32
    %dma_wait3A_85 = tpu.memref_slice %arg4[%mul3A_2, %dma_wait3A_84] : memref<160000x256xf32, #tpu.memory_space<hbm>> -> memref<40x256xf32, #tpu.memory_space<hbm>>
    %dma_wait3A_86 = arith.constant 0 : i32
    %dma_wait3A_87 = tpu.memref_slice %arg4[%mul3A_2, %dma_wait3A_86] : memref<160000x256xf32, #tpu.memory_space<hbm>> -> memref<40x256xf32, #tpu.memory_space<hbm>>
    %dma_wait3A_88 = arith.constant 0 : i32
    %dma_wait3A_89 = arith.constant 0 : i32
    %dma_wait3A_90 = tpu.memref_slice %arg6[%dma_wait3A_79, %dma_wait3A_88, %dma_wait3A_89] : memref<5x40x256xf32, #tpu.memory_space<vmem>> -> memref<1x40x256xf32, #tpu.memory_space<vmem>>
    %dma_wait3A_91 = tpu.memref_squeeze %dma_wait3A_90 : memref<1x40x256xf32, #tpu.memory_space<vmem>> -> memref<40x256xf32, #tpu.memory_space<vmem>>
    tpu.wait_dma2 semaphore(%arg13 : memref<!tpu.dma_semaphore, #tpu.memory_space<semaphore_mem>>) src(%dma_wait3A_91 : memref<40x256xf32, #tpu.memory_space<vmem>>) dst(%dma_wait3A_87 : memref<40x256xf32, #tpu.memory_space<hbm>>)
    %dma_wait3A_92 = arith.constant 2 : i32
    %dma_wait3A_93 = arith.constant 0 : i32
    %dma_wait3A_94 = arith.constant 0 : i32
    %dma_wait3A_95 = tpu.memref_slice %arg6[%dma_wait3A_92, %dma_wait3A_93, %dma_wait3A_94] : memref<5x40x256xf32, #tpu.memory_space<vmem>> -> memref<1x40x256xf32, #tpu.memory_space<vmem>>
    %dma_wait3A_96 = tpu.memref_squeeze %dma_wait3A_95 : memref<1x40x256xf32, #tpu.memory_space<vmem>> -> memref<40x256xf32, #tpu.memory_space<vmem>>
    %dma_wait3A_97 = arith.constant 0 : i32
    %dma_wait3A_98 = tpu.memref_slice %arg4[%mul3A_2, %dma_wait3A_97] : memref<160000x256xf32, #tpu.memory_space<hbm>> -> memref<40x256xf32, #tpu.memory_space<hbm>>
    %dma_wait3A_99 = arith.constant 0 : i32
    %dma_wait3A_100 = tpu.memref_slice %arg4[%mul3A_2, %dma_wait3A_99] : memref<160000x256xf32, #tpu.memory_space<hbm>> -> memref<40x256xf32, #tpu.memory_space<hbm>>
    %dma_wait3A_101 = arith.constant 0 : i32
    %dma_wait3A_102 = arith.constant 0 : i32
    %dma_wait3A_103 = tpu.memref_slice %arg6[%dma_wait3A_92, %dma_wait3A_101, %dma_wait3A_102] : memref<5x40x256xf32, #tpu.memory_space<vmem>> -> memref<1x40x256xf32, #tpu.memory_space<vmem>>
    %dma_wait3A_104 = tpu.memref_squeeze %dma_wait3A_103 : memref<1x40x256xf32, #tpu.memory_space<vmem>> -> memref<40x256xf32, #tpu.memory_space<vmem>>
    tpu.wait_dma2 semaphore(%arg14 : memref<!tpu.dma_semaphore, #tpu.memory_space<semaphore_mem>>) src(%dma_wait3A_104 : memref<40x256xf32, #tpu.memory_space<vmem>>) dst(%dma_wait3A_100 : memref<40x256xf32, #tpu.memory_space<hbm>>)
    %dma_wait3A_105 = arith.constant 3 : i32
    %dma_wait3A_106 = arith.constant 0 : i32
    %dma_wait3A_107 = arith.constant 0 : i32
    %dma_wait3A_108 = tpu.memref_slice %arg6[%dma_wait3A_105, %dma_wait3A_106, %dma_wait3A_107] : memref<5x40x256xf32, #tpu.memory_space<vmem>> -> memref<1x40x256xf32, #tpu.memory_space<vmem>>
    %dma_wait3A_109 = tpu.memref_squeeze %dma_wait3A_108 : memref<1x40x256xf32, #tpu.memory_space<vmem>> -> memref<40x256xf32, #tpu.memory_space<vmem>>
    %dma_wait3A_110 = arith.constant 0 : i32
    %dma_wait3A_111 = tpu.memref_slice %arg4[%mul3A_2, %dma_wait3A_110] : memref<160000x256xf32, #tpu.memory_space<hbm>> -> memref<40x256xf32, #tpu.memory_space<hbm>>
    %dma_wait3A_112 = arith.constant 0 : i32
    %dma_wait3A_113 = tpu.memref_slice %arg4[%mul3A_2, %dma_wait3A_112] : memref<160000x256xf32, #tpu.memory_space<hbm>> -> memref<40x256xf32, #tpu.memory_space<hbm>>
    %dma_wait3A_114 = arith.constant 0 : i32
    %dma_wait3A_115 = arith.constant 0 : i32
    %dma_wait3A_116 = tpu.memref_slice %arg6[%dma_wait3A_105, %dma_wait3A_114, %dma_wait3A_115] : memref<5x40x256xf32, #tpu.memory_space<vmem>> -> memref<1x40x256xf32, #tpu.memory_space<vmem>>
    %dma_wait3A_117 = tpu.memref_squeeze %dma_wait3A_116 : memref<1x40x256xf32, #tpu.memory_space<vmem>> -> memref<40x256xf32, #tpu.memory_space<vmem>>
    tpu.wait_dma2 semaphore(%arg15 : memref<!tpu.dma_semaphore, #tpu.memory_space<semaphore_mem>>) src(%dma_wait3A_117 : memref<40x256xf32, #tpu.memory_space<vmem>>) dst(%dma_wait3A_113 : memref<40x256xf32, #tpu.memory_space<hbm>>)
    %dma_wait3A_118 = arith.constant 4 : i32
    %dma_wait3A_119 = arith.constant 0 : i32
    %dma_wait3A_120 = arith.constant 0 : i32
    %dma_wait3A_121 = tpu.memref_slice %arg6[%dma_wait3A_118, %dma_wait3A_119, %dma_wait3A_120] : memref<5x40x256xf32, #tpu.memory_space<vmem>> -> memref<1x40x256xf32, #tpu.memory_space<vmem>>
    %dma_wait3A_122 = tpu.memref_squeeze %dma_wait3A_121 : memref<1x40x256xf32, #tpu.memory_space<vmem>> -> memref<40x256xf32, #tpu.memory_space<vmem>>
    %dma_wait3A_123 = arith.constant 0 : i32
    %dma_wait3A_124 = tpu.memref_slice %arg4[%mul3A_2, %dma_wait3A_123] : memref<160000x256xf32, #tpu.memory_space<hbm>> -> memref<40x256xf32, #tpu.memory_space<hbm>>
    %dma_wait3A_125 = arith.constant 0 : i32
    %dma_wait3A_126 = tpu.memref_slice %arg4[%mul3A_2, %dma_wait3A_125] : memref<160000x256xf32, #tpu.memory_space<hbm>> -> memref<40x256xf32, #tpu.memory_space<hbm>>
    %dma_wait3A_127 = arith.constant 0 : i32
    %dma_wait3A_128 = arith.constant 0 : i32
    %dma_wait3A_129 = tpu.memref_slice %arg6[%dma_wait3A_118, %dma_wait3A_127, %dma_wait3A_128] : memref<5x40x256xf32, #tpu.memory_space<vmem>> -> memref<1x40x256xf32, #tpu.memory_space<vmem>>
    %dma_wait3A_130 = tpu.memref_squeeze %dma_wait3A_129 : memref<1x40x256xf32, #tpu.memory_space<vmem>> -> memref<40x256xf32, #tpu.memory_space<vmem>>
    tpu.wait_dma2 semaphore(%arg16 : memref<!tpu.dma_semaphore, #tpu.memory_space<semaphore_mem>>) src(%dma_wait3A_130 : memref<40x256xf32, #tpu.memory_space<vmem>>) dst(%dma_wait3A_126 : memref<40x256xf32, #tpu.memory_space<hbm>>)
    return
  }
}

</mosaic_0001>

<sc_bundles>
// kernel: kernel.3.cloned.1.call-start
scs
__scs_entry_jumppad:
0x0: {  	(pc) =	sbr.rel $0x88, $3  }
0x1: {  	(tag) =	ssettag $0x0;
	lr =	simm.s32 $0x1  }
0x2: {  	[smem:$0x3F9F] =	sst lr;
	_ =	strace $0xD0000000  }
0x3: {  	_ = 	snop  }
0x4: {  	_ = 	snop  }
0x5: {  	_ = 	snop  }
0x6: {  	_ = 	snop  }
0x7: {  	_ = 	snop  }
__scs_overlays_trampoline_lowered:
0x8: {  	[smem:$0x3FAE] =	sst s0  }
0x9: {  	[smem:$0x3FAF] =	sst s1  }
0xa: {  	[smem:$0x3FB0] =	sst s2  }
0xb: {  	[smem:$0x3FB1] =	sst s3  }
0xc: {  	[smem:$0x3FB2] =	sst s4  }
0xd: {  	[smem:$0x3FB3] =	sst s5  }
0xe: {  	[smem:$0x3FB4] =	sst s6  }
0xf: {  	[smem:$0x3FB5] =	sst s7  }
0x10: {  	[smem:$0x3FB6] =	sst s8  }
0x11: {  	[smem:$0x3FB7] =	sst s9;
	s0 =	simm.s32 @!p0 $0x0  }
0x12: {  	s1 =	sld [smem:$0x3F9D];
	s0 =	simm.s32 @p0 $0x1  }
0x13: {  	[smem:$0x3FB8] =	sst s0;
	s0 =	simm.s32 @!p1 $0x0  }
0x14: {  	s2 =	sld [smem:$0x3F9C];
	s0 =	simm.s32 @p1 $0x1  }
0x15: {  	[smem:$0x3FB9] =	sst s0;
	s0 =	simm.s32 @!p2 $0x0  }
0x16: {  	s3 =	sld [smem:$0x3FDB];
	s0 =	simm.s32 @p2 $0x1  }
0x17: {  	s4 =	simm.s32 $0x1BF5;
	[smem:$0x3FBB] =	sst s0  }
0x18: {  	s0 =	sld [smem:$0x3F9E];
	_ =	swait.ge [sflag:s4], $0x0  }
0x19: {  	s7 =	sld [smem:$0x3F9F]  }
0x1a: {  	s8 =	sadd.s32 $0xFFFFE003, lr  }
0x1b: {  	s9 =	sadd.s32 $0xFFFFFEF7, lr;
	s5 =	simm.s32 $0xFFFFFFFF;
	p2 =	slt.u32 s8, $0xFFFFF086  }
0x1c: {  	p1 =	slt.u32 s9, $0xF7A;
	s5 =	simm.s32 @!p2 $0x0  }
0x1d: {  	s5 =	simm.s32 @p1 $0x1;
	p0 =	seq.s32 s7, s2  }
0x1e: {  	s7 =	smul.u32 @!p0 $0xF7A, s2;
	p2 =	seq.s32 @!p0 s5, $0x0  }
0x1f: {  	s9 =	smul.u32 $0xF7A, s1;
	s8 =	simm.s32 @!p0 $0x1BF5;
	p2 =	por !p2, p0  }
0x20: {  	[sflag:s8] =	ssyncset.s32 @!p0 $0xFFFFF086;
	s6 =	sadd.s32 @!p0 s3, s7;
	s7 =	simm.s32 @!p0 $0x108  }
0x21: {  	s3 =	sadd.s32 s3, s9;
	s6 =	sadd.s32 @!p0 $0x88, s6;
	s7 =	simm.s32 @p2 $0x1082  }
0x22: {  	[simem:s7], [sflag:s8] =	dma.local @!p0 [hbm:s6], $0xF7A  }
0x23: {  	s9 =	sor.u32 $0xD0000000, s2;
	s6 =	simm.s32 $0x108;
	_ =	swait.ge @!p0 [sflag:s8], $0x0  }
0x24: {  	s3 =	sadd.s32 $0x88, s3;
	s6 =	simm.s32 @!p1 $0x1082;
	[sflag:s4] =	ssyncset.s32 $0xFFFFF086  }
0x25: {  	[simem:s6], [sflag:s4] =	dma.local [hbm:s3], $0xF7A  }
0x26: {  	[smem:$0x3F9F] =	sst s1;
	(tag) =	ssettag s2;
	_ =	strace s9  }
0x27: {  	s1 =	sld [smem:$0x3FAF]  }
0x28: {  	s2 =	sld [smem:$0x3FB0]  }
0x29: {  	s4 =	sld [smem:$0x3FB2]  }
0x2a: {  	p0 =	seq.s32 s5, $0x0;
	s5 =	sld [smem:$0x3FB3]  }
0x2b: {  	s6 =	sld [smem:$0x3FB4]  }
0x2c: {  	s7 =	sld [smem:$0x3FB5]  }
0x2d: {  	s3 =	simm.s32 $0x108;
	s8 =	sld [smem:$0x3FB6]  }
0x2e: {  	s3 =	simm.s32 @!p0 $0x1082;
	s9 =	sld [smem:$0x3FB7]  }
0x2f: {  	lr =	sadd.s32 s0, s3;
	s0 =	sld [smem:$0x3FAE]  }
0x30: {  	s3 =	sld [smem:$0x3FB1]  }
0x31: {  	[smem:$0x3FBA] =	sst s10  }
0x32: {  	s10 =	sld [smem:$0x3FB8];
	_ =	sdelay $0x3  }
0x33: {  	p0 =	seq.s32 s10, $0x1;
	s10 =	sld [smem:$0x3FBA];
	_ =	sdelay $0x3  }
0x34: {  	[smem:$0x3FBA] =	sst s10  }
0x35: {  	s10 =	sld [smem:$0x3FB9];
	_ =	sdelay $0x3  }
0x36: {  	p1 =	seq.s32 s10, $0x1;
	s10 =	sld [smem:$0x3FBA];
	_ =	sdelay $0x3  }
0x37: {  	[smem:$0x3FBA] =	sst s10  }
0x38: {  	s10 =	sld [smem:$0x3FBB]  }
0x39: {  	_ = 	snop;
	(pc) =	sbr.ind lr, $3  }
0x3a: {  	_ = 	snop  }
0x3b: {  	_ = 	snop  }
0x3c: {  	p2 =	seq.s32 s10, $0x1;
	s10 =	sld [smem:$0x3FBA]  }
0x3d: {  	_ =	shalt  }
0x3e: {  	_ =	shalt  }
0x3f: {  	_ =	shalt  }
0x40: {  	_ =	shalt  }
0x41: {  	_ =	shalt  }
0x42: {  	_ =	shalt  }
0x43: {  	_ =	shalt  }
0x44: {  	_ =	shalt  }
0x45: {  	_ =	shalt  }
0x46: {  	_ =	shalt  }
0x47: {  	_ =	shalt  }
0x48: {  	_ =	shalt  }
0x49: {  	_ =	shalt  }
0x4a: {  	_ =	shalt  }
0x4b: {  	_ =	shalt  }
0x4c: {  	_ =	shalt  }
0x4d: {  	_ =	shalt  }
0x4e: {  	_ =	shalt  }
0x4f: {  	_ =	shalt  }
0x50: {  	_ =	shalt  }
0x51: {  	_ =	shalt  }
0x52: {  	_ =	shalt  }
0x53: {  	_ =	shalt  }
0x54: {  	_ =	shalt  }
0x55: {  	_ =	shalt  }
0x56: {  	_ =	shalt  }
0x57: {  	_ =	shalt  }
0x58: {  	_ =	shalt  }
0x59: {  	_ =	shalt  }
0x5a: {  	_ =	shalt  }
0x5b: {  	_ =	shalt  }
0x5c: {  	_ =	shalt  }
0x5d: {  	_ =	shalt  }
0x5e: {  	_ =	shalt  }
0x5f: {  	_ =	shalt  }
0x60: {  	_ =	shalt  }
0x61: {  	_ =	shalt  }
0x62: {  	_ =	shalt  }
0x63: {  	_ =	shalt  }
0x64: {  	_ =	shalt  }
0x65: {  	_ =	shalt  }
0x66: {  	_ =	shalt  }
0x67: {  	_ =	shalt  }
0x68: {  	_ =	shalt  }
0x69: {  	_ =	shalt  }
0x6a: {  	_ =	shalt  }
0x6b: {  	_ =	shalt  }
0x6c: {  	_ =	shalt  }
0x6d: {  	_ =	shalt  }
0x6e: {  	_ =	shalt  }
0x6f: {  	_ =	shalt  }
0x70: {  	_ =	shalt  }
0x71: {  	_ =	shalt  }
0x72: {  	_ =	shalt  }
0x73: {  	_ =	shalt  }
0x74: {  	_ =	shalt  }
0x75: {  	_ =	shalt  }
0x76: {  	_ =	shalt  }
0x77: {  	_ =	shalt  }
0x78: {  	_ =	shalt  }
0x79: {  	_ =	shalt  }
0x7a: {  	_ =	shalt  }
0x7b: {  	_ =	shalt  }
0x7c: {  	_ =	shalt  }
0x7d: {  	_ =	shalt  }
0x7e: {  	_ =	shalt  }
0x7f: {  	_ =	shalt  }
0x80: {  	_ =	shalt  }
0x81: {  	_ =	shalt  }
0x82: {  	_ =	shalt  }
0x83: {  	_ =	shalt  }
0x84: {  	_ =	shalt  }
0x85: {  	_ =	shalt  }
0x86: {  	_ =	shalt  }
0x87: {  	_ =	shalt  }
.Lfunc_end0:
.L_simem_size_0:
called_computation_lowered:
.L_overlay_start_0:
0x88: {  	s2 =	sld [smem:$0x3FD9]  }
0x89: {  	s3 =	sld [smem:$0x3FFE];
	_ =	sdelay $0x1  }
0x8a: {  	s1 =	srdreg.scid  }
0x8b: {  	s0 =	sand.u32 $0x1, s1  }
0x8c: {  	s17 =	sshll.u32 s0, $0xA;
	s2 =	sadd.s32 s3, s2  }
0x8d: {  	s2 =	sadd.s32 s2, s17  }
0x8e: {  	[smem:$0x3FC6] =	sst s2  }
0x8f: {  	_ = 	snop  }
0x90: {  	s2 =	sld [smem:$0x3FC8]  }
0x91: {  	s18 =	sld [smem:$0x3FD0];
	(tm) =	ssettm $0x1  }
0x92: {  	s4 =	sld [smem:$0x3FFB];
	_ =	sdelay $0x3  }
0x93: {  	_ =	strace s4  }
0x94: {  	s4 =	sld [smem:$0x3FFC];
	_ =	sdelay $0x3  }
0x95: {  	_ =	strace s4  }
0x96: {  	s4 =	sld [smem:$0x3FFD];
	_ =	sdelay $0x3  }
0x97: {  	_ =	strace s4  }
0x98: {  	_ =	strace $0x8FFFFFFF  }
0x99: {  	s19 =	sld [smem:$0x3FDB];
	_ =	sdelay $0x1  }
0x9a: {  	s5 =	simm.s32 $_scs_section_size  }
0x9b: {  	s6 =	simm.s32 $_size__tile_overlayer_lowered;
	s7 =	simm.s32 $_tile_overlayer_lowered  }
0x9c: {  	s22 =	simm.s32 $0x1BFF;
	s21 =	sshll.u32 s7, $0x1;
	s4 =	sadd.s32 s5, s19  }
0x9d: {  	s8 =	simm.s32 $0x0;
	s20 =	sshll.u32 s6, $0x1;
	s6 =	sadd.s32 s21, s4  }
0x9e: {  	[timem:s8], [sflag:s22] =	dma.local [hbm:s6], s20  }
0x9f: {  	_ =	swait.ge [sflag:s22], s20  }
0xa0: {  	s5 =	ssub.s32 $0x0, s20;
	[sflag:s22] =	ssyncset.done $0x0  }
0xa1: {  	[sflag:s22] =	ssyncadd.s32 s5;
	_ =	sdelay $0x1  }
0xa2: {  	s23 =	simm.s32 $0x1B8B  }
0xa3: {  	_ =	swait.ge [sflag:s23], $0x1  }
0xa4: {  	[sflag:s23] =	ssyncset.done $0x0  }
0xa5: {  	s25 =	simm.s32 $0x1B8E;
	s24 =	sld [smem:$0x3FFE];
	[sflag:s23] =	ssyncadd.s32 $0xFFFFFFFF  }
0xa6: {  	s26 =	simm.s32 $execute0_lowered;
	[smem:$0x3FD2] =	sst s25  }
0xa7: {  	s6 =	sshll.u32 s26, $0x1;
	_ =	strace $0x80000046;
	[dreg:$0x1] =	wrdreg $0xFFFFFFFF  }
0xa8: {  	s28 =	simm.s32 $_size_execute0_lowered;
	s4 =	sadd.s32 s4, s6;
	[dreg:$0x0] =	wrdreg $0x0  }
0xa9: {  	s6 =	sshll.u32 s28, $0x1;
	[dreg:$0x2] =	wrdreg s4  }
0xaa: {  	[dreg:$0x3] =	wrdreg s6  }
0xab: {  	[dreg:$0x4] =	wrdreg $0xC0  }
0xac: {  	_ =	task [dreg:s8], $0x5FFFF  }
0xad: {  	[dreg:$0x1] =	wrdreg $0xFFFFFFFF  }
0xae: {  	[dreg:$0x0] =	wrdreg $0x60  }
0xaf: {  	[dreg:$0x2] =	wrdreg s24  }
0xb0: {  	[dreg:$0x3] =	wrdreg s2  }
0xb1: {  	[dreg:$0x4] =	wrdreg s18  }
0xb2: {  	[dreg:$0x5] =	wrdreg $0x9  }
0xb3: {  	_ =	task.clear_ibuf [dreg:s8], $0x6FFFF;
	_ =	strace $0x90000046  }
0xb4: {  	s29 =	simm.s32 $0x9;
	_ =	strace $0x80000048  }
0xb5: {  	_ =	swait.ge [sflag:s29], $0x1  }
0xb6: {  	[sflag:s29] =	ssyncadd.s32 $0xFFFFFFFF  }
0xb7: {  	_ =	strace $0x90000048  }
0xb8: {  	_ =	sfence  }
0xb9: {  	s30 =	sld [smem:$0x0];
	_ =	sdelay $0x2  }
0xba: {  	s31 =	sshll.u32 s1, $0xD;
	s1 =	sshrl.u32 s1, $0x2  }
0xbb: {  	s3 =	sand.u32 $0x4000, s31;
	s1 =	sadd.s32 s1, s30  }
0xbc: {  	s0 =	sor.u32 s3, s0;
	s1 =	sshll.u32 s1, $0x11  }
0xbd: {  	s0 =	sor.u32 s1, s0  }
0xbe: {  	s0 =	sadd.s32 $0x8F2B, s0  }
0xbf: {  	[sflag:s0] =	ssyncadd.remote.s32 $0x1  }
0xc0: {  	_ =	sfence.sel $0xFFFF  }
0xc1: {  	[dreg:$0x0] =	wrdreg $0xFFFFFFFF;
	(pc) =	sbr.abs _section_cstart, $3  }
0xc2: {  	[dreg:$0x1] =	wrdreg $0xFFFFFFFF  }
0xc3: {  	_ =	task.clear_ibuf [dreg:s8], $0x2FFFF;
	_ =	strace $0x9FFFFFFF  }
0xc4: {  	(tm) =	ssettm $0x7FFFFFFF  }
0xc5: {  	_ =	shalt  }
tec
execute0_lowered:
.L_overlay_start_1:
0x0: {  	(tag) =	ssettag $0x1  }
0x1: {  	s0 =	rddreg [dreg:$0x0]  }
0x2: {  	s1 =	rddreg [dreg:$0x1]  }
0x3: {  	s2 =	rddreg [dreg:$0x2];
	s3 =	simm.s32 $0x0;
	s4 =	srdreg.scid  }
0x4: {  	s7 =	stileid.u32;
	s8 =	simm.s32 $0x4000;
	s13 =	simm.s32 $0x6800  }
0x5: {  	s18 =	simm.s32 $0x9000;
	s22 =	simm.s32 $0xB000;
	s28 =	simm.s32 $0xD800  }
0x6: {  	s29 =	simm.s32 $0xE000;
	s30 =	simm.s32 $0xE800;
	s31 =	simm.s32 $0xF000  }
0x7: {  	s9 =	simm.s32 $0x4;
	s10 =	simm.s32 $0x5;
	s11 =	simm.s32 $0x6  }
0x8: {  	s12 =	simm.s32 $0x7;
	s14 =	simm.s32 $0x8;
	s15 =	simm.s32 $0x9  }
0x9: {  	s16 =	simm.s32 $0xA;
	s19 =	simm.s32 $0x0;
	[smem:$0x7FF] =	sst s3  }
0xa: {  	s4 =	sand.u32 $0x1, s4;
	s5 =	sshll.u32 s7, $0xC;
	s7 =	smul.u32 $0x4E200, s7  }
0xb: {  	_ =	strace $0x80000047;
	s6 =	sshll.u32 s4, $0xB;
	s23 =	ssub.s32 $0x2, s4  }
0xc: {  	s4 =	smul.u32 $0x27100, s4;
	s5 =	sor.u32 s6, s5;
	s24 =	sshrl.u32 s23, $0x1  }
0xd: {  	s25 =	sadd.s32 s7, s2;
	s2 =	simm.s32 $0x10000;
	s7 =	simm.s32 $0x3  }
.Ltmp0:
0xe: {  	s0 =	sadd.s32 s5, s0;
	s5 =	ssub.s32 s23, s24;
	(pc) =	sbr.rel .LBB2_1-.Ltmp0, $4  }
0xf: {  	s6 =	sadd.s32 s4, s25;
	s23 =	simm.s32 $0xB800;
	s24 =	simm.s32 $0xC000  }
0x10: {  	v2 =	vlaneseq.u32;
	s25 =	simm.s32 $0xC800;
	s4 =	simm.s32 $0x1;
	s0 =	sadd.s32 $0x400, s0  }
0x11: {  	vm0 =	vmmov $0xffff;
	v1 =	vshrl.u32 v2, $0x3;
	s26 =	smax.u32 s5, $0x1;
	s5 =	simm.s32 $0x2;
	[dreg:$0x4] =	wrdreg s0  }
0x12: {  	v0 =	vand.u32 $0x7, v2;
	v2 =	vor.u32 $0x8, v2;
	v1 =	vmul.u32 $0x8, v1;
	[dreg:$0x5] =	wrdreg s26;
	s26 =	simm.s32 $0xD000;
	s0 =	simm.s32 $0xF800  }
.LBB2_4:
0x13: {  	_ =	swait.ge [sflag:s12], $0x2800  }
0x14: {  	[sflag:s12] =	ssyncset.done $0x0  }
0x15: {  	[sflag:s12] =	ssyncadd.s32 $0xFFFFD800  }
0x16: {  	_ =	swait.ge [sflag:s14], $0x2800  }
0x17: {  	[sflag:s14] =	ssyncset.done $0x0  }
0x18: {  	[sflag:s14] =	ssyncadd.s32 $0xFFFFD800  }
0x19: {  	_ =	swait.ge [sflag:s15], $0x2800  }
0x1a: {  	[sflag:s15] =	ssyncset.done $0x0  }
0x1b: {  	[sflag:s15] =	ssyncadd.s32 $0xFFFFD800  }
0x1c: {  	_ =	swait.ge [sflag:s16], $0x2800  }
0x1d: {  	s19 =	rddreg [dreg:$0x6]  }
0x1e: {  	s17 =	rddreg [dreg:$0x5];
	s19 =	sadd.s32 $0x1, s19  }
0x1f: {  	p0 =	sne.s32 s19, s17  }
.Ltmp1:
0x20: {  	_ = 	snop;
	(pc) =	sbr.rel @!p0 .LBB2_5-.Ltmp1, $3  }
0x21: {  	_ =	sdelay $0x1  }
0x22: {  	[sflag:s16] =	ssyncset.done $0x0  }
0x23: {  	[sflag:s16] =	ssyncadd.s32 $0xFFFFD800  }
.LBB2_1:
0x24: {  	[dreg:$0x6] =	wrdreg s19  }
0x25: {  	s17 =	rddreg [dreg:$0x4];
	s19 =	simm.s32 $0xB  }
0x26: {  	[tilespmem:s3], [sflag:$0xB] =	stream.linear.gather [hbm4b:s17+s3], $0x3E80, $0x38;
	[tilespmem:$0x10800] =	vst v63  }
0x27: {  	_ =	swait.ge [sflag:s19], $0x3E80  }
0x28: {  	[sflag:s19] =	ssyncset.done $0x0  }
0x29: {  	[sflag:s19] =	ssyncadd.s32 $0xFFFFC180  }
0x2a: {  	v3 =	vld [tilespmem:$0x0];
	_ =	sdelay $0x4  }
0x2b: {  	v4 =	vshll.u32 v3, $0x1  }
0x2c: {  	v3 =	vand.u32 $0x7, v3;
	v4 =	vand.u32 $0xFFFFFFF0, v4  }
0x2d: {  	v3 =	vor.u32 v3, v4  }
0x2e: {  	v4 =	vperm.xlane v3, v0;
	_ =	sdelay $0x1  }
0x2f: {  	v3 =	vperm.xlane v3, v2;
	v4 =	vadd.s32 v1, v4;
	_ =	sdelay $0x1  }
0x30: {  	v3 =	vadd.s32 v1, v3;
	_ =	sdelay $0x2  }
0x31: {  	[tilespmem:s8], [sflag:$0x1] =	stream.indirect_vreg.gather [hbm4b:s1+s3], $0x80, v4, vm0, $0xb8;
	[tilespmem:$0x10800] =	vst v63  }
0x32: {  	s20 =	simm.s32 $0x4800  }
0x33: {  	[tilespmem:s20], [sflag:$0x1] =	stream.indirect_vreg.gather [hbm4b:s1+s3], $0x80, v3, vm0, $0xb8;
	[tilespmem:$0x10800] =	vst v63  }
0x34: {  	v3 =	vld [tilespmem:$0x10];
	_ =	sdelay $0x4  }
0x35: {  	v50 =	vshll.u32 v3, $0x1  }
0x36: {  	v3 =	vand.u32 $0x7, v3;
	v4 =	vand.u32 $0xFFFFFFF0, v50  }
0x37: {  	v3 =	vor.u32 v3, v4  }
0x38: {  	v4 =	vperm.xlane v3, v0;
	_ =	sdelay $0x1  }
0x39: {  	v3 =	vperm.xlane v3, v2;
	v4 =	vadd.s32 v1, v4;
	_ =	sdelay $0x1  }
0x3a: {  	v3 =	vadd.s32 v1, v3;
	_ =	sdelay $0x1  }
0x3b: {  	s21 =	simm.s32 $0x5000  }
0x3c: {  	[tilespmem:s21], [sflag:$0x1] =	stream.indirect_vreg.gather [hbm4b:s1+s3], $0x80, v4, vm0, $0xb8;
	[tilespmem:$0x10800] =	vst v63  }
0x3d: {  	s19 =	simm.s32 $0x5800  }
0x3e: {  	[tilespmem:s19], [sflag:$0x1] =	stream.indirect_vreg.gather [hbm4b:s1+s3], $0x80, v3, vm0, $0xb8;
	[tilespmem:$0x10800] =	vst v63  }
0x3f: {  	v3 =	vld.msk [tilespmem:$0x20], $0xff;
	_ =	sdelay $0x4  }
0x40: {  	v51 =	vshll.u32 v3, $0x1  }
0x41: {  	v3 =	vand.u32 $0x7, v3;
	v4 =	vand.u32 $0xFFFFFFF0, v51  }
0x42: {  	v3 =	vor.u32 v3, v4  }
0x43: {  	v3 =	vperm.xlane v3, v0;
	_ =	sdelay $0x1  }
0x44: {  	v3 =	vadd.s32 v1, v3;
	_ =	sdelay $0x3  }
0x45: {  	s20 =	simm.s32 $0x6000  }
0x46: {  	[tilespmem:s20], [sflag:$0x1] =	stream.indirect_vreg.gather [hbm4b:s1+s3], $0x80, v3, vm0, $0xb8;
	[tilespmem:$0x10800] =	vst v63  }
0x47: {  	v3 =	vld [tilespmem:$0x80];
	_ =	sdelay $0x4  }
0x48: {  	v52 =	vshll.u32 v3, $0x1  }
0x49: {  	v3 =	vand.u32 $0x7, v3;
	v4 =	vand.u32 $0xFFFFFFF0, v52  }
0x4a: {  	v3 =	vor.u32 v3, v4  }
0x4b: {  	v4 =	vperm.xlane v3, v0;
	_ =	sdelay $0x1  }
0x4c: {  	v3 =	vperm.xlane v3, v2;
	v4 =	vadd.s32 v1, v4;
	_ =	sdelay $0x1  }
0x4d: {  	v3 =	vadd.s32 v1, v3;
	_ =	sdelay $0x2  }
0x4e: {  	[tilespmem:s13], [sflag:$0x2] =	stream.indirect_vreg.gather [hbm4b:s1+s3], $0x80, v4, vm0, $0xb8;
	[tilespmem:$0x10800] =	vst v63  }
0x4f: {  	s21 =	simm.s32 $0x7000  }
0x50: {  	[tilespmem:s21], [sflag:$0x2] =	stream.indirect_vreg.gather [hbm4b:s1+s3], $0x80, v3, vm0, $0xb8;
	[tilespmem:$0x10800] =	vst v63  }
0x51: {  	v3 =	vld [tilespmem:$0x90];
	_ =	sdelay $0x4  }
0x52: {  	v53 =	vshll.u32 v3, $0x1  }
0x53: {  	v3 =	vand.u32 $0x7, v3;
	v4 =	vand.u32 $0xFFFFFFF0, v53  }
0x54: {  	v3 =	vor.u32 v3, v4  }
0x55: {  	v4 =	vperm.xlane v3, v0;
	_ =	sdelay $0x1  }
0x56: {  	v3 =	vperm.xlane v3, v2;
	v4 =	vadd.s32 v1, v4;
	_ =	sdelay $0x1  }
0x57: {  	v3 =	vadd.s32 v1, v3;
	_ =	sdelay $0x1  }
0x58: {  	s19 =	simm.s32 $0x7800  }
0x59: {  	[tilespmem:s19], [sflag:$0x2] =	stream.indirect_vreg.gather [hbm4b:s1+s3], $0x80, v4, vm0, $0xb8;
	[tilespmem:$0x10800] =	vst v63  }
0x5a: {  	s20 =	simm.s32 $0x8000  }
0x5b: {  	[tilespmem:s20], [sflag:$0x2] =	stream.indirect_vreg.gather [hbm4b:s1+s3], $0x80, v3, vm0, $0xb8;
	[tilespmem:$0x10800] =	vst v63  }
0x5c: {  	v3 =	vld.msk [tilespmem:$0xA0], $0xff;
	_ =	sdelay $0x4  }
0x5d: {  	v54 =	vshll.u32 v3, $0x1  }
0x5e: {  	v3 =	vand.u32 $0x7, v3;
	v4 =	vand.u32 $0xFFFFFFF0, v54  }
0x5f: {  	v3 =	vor.u32 v3, v4  }
0x60: {  	v3 =	vperm.xlane v3, v0;
	_ =	sdelay $0x1  }
0x61: {  	v3 =	vadd.s32 v1, v3;
	_ =	sdelay $0x3  }
0x62: {  	s21 =	simm.s32 $0x8800  }
0x63: {  	[tilespmem:s21], [sflag:$0x2] =	stream.indirect_vreg.gather [hbm4b:s1+s3], $0x80, v3, vm0, $0xb8;
	[tilespmem:$0x10800] =	vst v63  }
0x64: {  	v3 =	vld [tilespmem:$0x100];
	_ =	sdelay $0x4  }
0x65: {  	v55 =	vshll.u32 v3, $0x1  }
0x66: {  	v3 =	vand.u32 $0x7, v3;
	v4 =	vand.u32 $0xFFFFFFF0, v55  }
0x67: {  	v3 =	vor.u32 v3, v4  }
0x68: {  	v4 =	vperm.xlane v3, v0;
	_ =	sdelay $0x1  }
0x69: {  	v3 =	vperm.xlane v3, v2;
	v4 =	vadd.s32 v1, v4;
	_ =	sdelay $0x1  }
0x6a: {  	v3 =	vadd.s32 v1, v3;
	_ =	sdelay $0x2  }
0x6b: {  	[tilespmem:s18], [sflag:$0x3] =	stream.indirect_vreg.gather [hbm4b:s1+s3], $0x80, v4, vm0, $0xb8;
	[tilespmem:$0x10800] =	vst v63  }
0x6c: {  	s19 =	simm.s32 $0x9800  }
0x6d: {  	[tilespmem:s19], [sflag:$0x3] =	stream.indirect_vreg.gather [hbm4b:s1+s3], $0x80, v3, vm0, $0xb8;
	[tilespmem:$0x10800] =	vst v63  }
0x6e: {  	v3 =	vld [tilespmem:$0x110];
	_ =	sdelay $0x4  }
0x6f: {  	v56 =	vshll.u32 v3, $0x1  }
0x70: {  	v3 =	vand.u32 $0x7, v3;
	v4 =	vand.u32 $0xFFFFFFF0, v56  }
0x71: {  	v3 =	vor.u32 v3, v4  }
0x72: {  	v4 =	vperm.xlane v3, v0;
	_ =	sdelay $0x1  }
0x73: {  	v3 =	vperm.xlane v3, v2;
	v4 =	vadd.s32 v1, v4;
	_ =	sdelay $0x1  }
0x74: {  	v3 =	vadd.s32 v1, v3;
	_ =	sdelay $0x1  }
0x75: {  	s20 =	simm.s32 $0xA000  }
0x76: {  	[tilespmem:s20], [sflag:$0x3] =	stream.indirect_vreg.gather [hbm4b:s1+s3], $0x80, v4, vm0, $0xb8;
	[tilespmem:$0x10800] =	vst v63  }
0x77: {  	s21 =	simm.s32 $0xA800  }
0x78: {  	[tilespmem:s21], [sflag:$0x3] =	stream.indirect_vreg.gather [hbm4b:s1+s3], $0x80, v3, vm0, $0xb8;
	[tilespmem:$0x10800] =	vst v63  }
0x79: {  	v3 =	vld.msk [tilespmem:$0x120], $0xff;
	_ =	sdelay $0x4  }
0x7a: {  	v57 =	vshll.u32 v3, $0x1  }
0x7b: {  	v3 =	vand.u32 $0x7, v3;
	v4 =	vand.u32 $0xFFFFFFF0, v57  }
0x7c: {  	v3 =	vor.u32 v3, v4  }
0x7d: {  	v3 =	vperm.xlane v3, v0;
	_ =	sdelay $0x1  }
0x7e: {  	v3 =	vadd.s32 v1, v3;
	_ =	sdelay $0x4  }
0x7f: {  	[tilespmem:s22], [sflag:$0x3] =	stream.indirect_vreg.gather [hbm4b:s1+s3], $0x80, v3, vm0, $0xb8;
	[tilespmem:$0x10800] =	vst v63  }
0x80: {  	v3 =	vld [tilespmem:$0x180];
	_ =	sdelay $0x4  }
0x81: {  	v58 =	vshll.u32 v3, $0x1  }
0x82: {  	v3 =	vand.u32 $0x7, v3;
	v4 =	vand.u32 $0xFFFFFFF0, v58  }
0x83: {  	v3 =	vor.u32 v3, v4  }
0x84: {  	v4 =	vperm.xlane v3, v0;
	_ =	sdelay $0x1  }
0x85: {  	v3 =	vperm.xlane v3, v2;
	v4 =	vadd.s32 v1, v4;
	_ =	sdelay $0x1  }
0x86: {  	v3 =	vadd.s32 v1, v3;
	_ =	sdelay $0x2  }
0x87: {  	[tilespmem:s23], [sflag:$0x4] =	stream.indirect_vreg.gather [hbm4b:s1+s3], $0x80, v4, vm0, $0xb8;
	[tilespmem:$0x10800] =	vst v63  }
0x88: {  	_ = 	snop  }
0x89: {  	[tilespmem:s24], [sflag:$0x4] =	stream.indirect_vreg.gather [hbm4b:s1+s3], $0x80, v3, vm0, $0xb8;
	[tilespmem:$0x10800] =	vst v63  }
0x8a: {  	v3 =	vld [tilespmem:$0x190];
	_ =	sdelay $0x4  }
0x8b: {  	v59 =	vshll.u32 v3, $0x1  }
0x8c: {  	v3 =	vand.u32 $0x7, v3;
	v4 =	vand.u32 $0xFFFFFFF0, v59  }
0x8d: {  	v3 =	vor.u32 v3, v4  }
0x8e: {  	v4 =	vperm.xlane v3, v0;
	_ =	sdelay $0x1  }
0x8f: {  	v3 =	vperm.xlane v3, v2;
	v4 =	vadd.s32 v1, v4;
	_ =	sdelay $0x1  }
0x90: {  	v3 =	vadd.s32 v1, v3;
	_ =	sdelay $0x2  }
0x91: {  	[tilespmem:s25], [sflag:$0x4] =	stream.indirect_vreg.gather [hbm4b:s1+s3], $0x80, v4, vm0, $0xb8;
	[tilespmem:$0x10800] =	vst v63  }
0x92: {  	_ = 	snop  }
0x93: {  	[tilespmem:s26], [sflag:$0x4] =	stream.indirect_vreg.gather [hbm4b:s1+s3], $0x80, v3, vm0, $0xb8;
	[tilespmem:$0x10800] =	vst v63  }
0x94: {  	v3 =	vld.msk [tilespmem:$0x1A0], $0xff;
	_ =	sdelay $0x4  }
0x95: {  	v60 =	vshll.u32 v3, $0x1  }
0x96: {  	v3 =	vand.u32 $0x7, v3;
	v4 =	vand.u32 $0xFFFFFFF0, v60  }
0x97: {  	v3 =	vor.u32 v3, v4  }
0x98: {  	v3 =	vperm.xlane v3, v0;
	_ =	sdelay $0x1  }
0x99: {  	v3 =	vadd.s32 v1, v3;
	_ =	sdelay $0x4  }
0x9a: {  	[tilespmem:s28], [sflag:$0x4] =	stream.indirect_vreg.gather [hbm4b:s1+s3], $0x80, v3, vm0, $0xb8;
	[tilespmem:$0x10800] =	vst v63  }
0x9b: {  	v3 =	vld [tilespmem:$0x200];
	_ =	sdelay $0x4  }
0x9c: {  	v61 =	vshll.u32 v3, $0x1  }
0x9d: {  	v3 =	vand.u32 $0x7, v3;
	v4 =	vand.u32 $0xFFFFFFF0, v61  }
0x9e: {  	v3 =	vor.u32 v3, v4  }
0x9f: {  	v4 =	vperm.xlane v3, v0;
	_ =	sdelay $0x1  }
0xa0: {  	v3 =	vperm.xlane v3, v2;
	v4 =	vadd.s32 v1, v4;
	_ =	sdelay $0x1  }
0xa1: {  	v3 =	vadd.s32 v1, v3;
	_ =	sdelay $0x2  }
0xa2: {  	[tilespmem:s29], [sflag:$0x5] =	stream.indirect_vreg.gather [hbm4b:s1+s3], $0x80, v4, vm0, $0xb8;
	[tilespmem:$0x10800] =	vst v63  }
0xa3: {  	_ = 	snop  }
0xa4: {  	[tilespmem:s30], [sflag:$0x5] =	stream.indirect_vreg.gather [hbm4b:s1+s3], $0x80, v3, vm0, $0xb8;
	[tilespmem:$0x10800] =	vst v63  }
0xa5: {  	v3 =	vld [tilespmem:$0x210];
	_ =	sdelay $0x4  }
0xa6: {  	v62 =	vshll.u32 v3, $0x1  }
0xa7: {  	v3 =	vand.u32 $0x7, v3;
	v4 =	vand.u32 $0xFFFFFFF0, v62  }
0xa8: {  	v3 =	vor.u32 v3, v4  }
0xa9: {  	v4 =	vperm.xlane v3, v0;
	_ =	sdelay $0x1  }
0xaa: {  	v3 =	vperm.xlane v3, v2;
	v4 =	vadd.s32 v1, v4;
	_ =	sdelay $0x1  }
0xab: {  	v3 =	vadd.s32 v1, v3;
	_ =	sdelay $0x2  }
0xac: {  	[tilespmem:s31], [sflag:$0x5] =	stream.indirect_vreg.gather [hbm4b:s1+s3], $0x80, v4, vm0, $0xb8;
	[tilespmem:$0x10800] =	vst v63  }
0xad: {  	_ = 	snop  }
0xae: {  	[tilespmem:s0], [sflag:$0x5] =	stream.indirect_vreg.gather [hbm4b:s1+s3], $0x80, v3, vm0, $0xb8;
	[tilespmem:$0x10800] =	vst v63  }
0xaf: {  	v3 =	vld.msk [tilespmem:$0x220], $0xff;
	_ =	sdelay $0x4  }
0xb0: {  	v63 =	vshll.u32 v3, $0x1  }
0xb1: {  	v3 =	vand.u32 $0x7, v3;
	v4 =	vand.u32 $0xFFFFFFF0, v63  }
0xb2: {  	v3 =	vor.u32 v3, v4  }
0xb3: {  	v3 =	vperm.xlane v3, v0;
	_ =	sdelay $0x1  }
0xb4: {  	v3 =	vadd.s32 v1, v3;
	_ =	sdelay $0x3  }
0xb5: {  	s17 =	simm.s32 $0x4A0;
	s19 =	simm.s32 $0x0  }
0xb6: {  	[tilespmem:s2], [sflag:$0x5] =	stream.indirect_vreg.gather [hbm4b:s1+s3], $0x80, v3, vm0, $0xb8;
	[tilespmem:$0x10800] =	vst v63  }
.LBB2_2:
0xb7: {  	_ =	swait.ge [sflag:s4], $0x2800  }
0xb8: {  	[sflag:s4] =	ssyncset.done $0x0  }
0xb9: {  	s20 =	sadd.s32 s19, s6;
	[sflag:s4] =	ssyncadd.s32 $0xFFFFD800  }
0xba: {  	[hbm4b:s20+s3] =	stream.linear.scatter [tilespmem:s8], [sflag:$0x6], $0x2800, $0x38;
	[tilespmem:$0x10800] =	vst v63  }
0xbb: {  	_ =	swait.ge [sflag:s5], $0x2800  }
0xbc: {  	[sflag:s5] =	ssyncset.done $0x0  }
0xbd: {  	s21 =	sadd.s32 $0x500, s20;
	[sflag:s5] =	ssyncadd.s32 $0xFFFFD800  }
0xbe: {  	[hbm4b:s21+s3] =	stream.linear.scatter [tilespmem:s13], [sflag:$0x7], $0x2800, $0x38;
	[tilespmem:$0x10800] =	vst v63  }
0xbf: {  	_ =	swait.ge [sflag:s7], $0x2800  }
0xc0: {  	[sflag:s7] =	ssyncset.done $0x0  }
0xc1: {  	s21 =	sadd.s32 $0xA00, s20;
	[sflag:s7] =	ssyncadd.s32 $0xFFFFD800  }
0xc2: {  	[hbm4b:s21+s3] =	stream.linear.scatter [tilespmem:s18], [sflag:$0x8], $0x2800, $0x38;
	[tilespmem:$0x10800] =	vst v63  }
0xc3: {  	_ =	swait.ge [sflag:s9], $0x2800  }
0xc4: {  	[sflag:s9] =	ssyncset.done $0x0  }
0xc5: {  	s21 =	sadd.s32 $0xF00, s20;
	[sflag:s9] =	ssyncadd.s32 $0xFFFFD800  }
0xc6: {  	[hbm4b:s21+s3] =	stream.linear.scatter [tilespmem:s23], [sflag:$0x9], $0x2800, $0x38;
	[tilespmem:$0x10800] =	vst v63  }
0xc7: {  	_ =	swait.ge [sflag:s10], $0x2800  }
0xc8: {  	p0 =	seq.s32 s19, $0x25800;
	[sflag:s10] =	ssyncset.done $0x0  }
.Ltmp2:
0xc9: {  	s20 =	sadd.s32 $0x1400, s20;
	[sflag:s10] =	ssyncadd.s32 $0xFFFFD800;
	(pc) =	sbr.rel @p0 .LBB2_4-.Ltmp2, $4  }
0xca: {  	[hbm4b:s20+s3] =	stream.linear.scatter [tilespmem:s29], [sflag:$0xA], $0x2800, $0x38;
	[tilespmem:$0x10800] =	vst v63  }
0xcb: {  	_ =	swait.ge [sflag:s11], $0x2800  }
0xcc: {  	[sflag:s11] =	ssyncset.done $0x0  }
0xcd: {  	[sflag:s11] =	ssyncadd.s32 $0xFFFFD800  }
0xce: {  	v3 =	vld [tilespmem:s17+$0xFFFFFDE0];
	_ =	sdelay $0x4  }
0xcf: {  	v4 =	vshll.u32 v3, $0x1  }
0xd0: {  	v3 =	vand.u32 $0x7, v3;
	v4 =	vand.u32 $0xFFFFFFF0, v4  }
0xd1: {  	v3 =	vor.u32 v3, v4  }
0xd2: {  	v4 =	vperm.xlane v3, v0;
	_ =	sdelay $0x1  }
0xd3: {  	v3 =	vperm.xlane v3, v2;
	v4 =	vadd.s32 v1, v4;
	_ =	sdelay $0x1  }
0xd4: {  	v3 =	vadd.s32 v1, v3;
	_ =	sdelay $0x2  }
0xd5: {  	[tilespmem:s8], [sflag:$0x1] =	stream.indirect_vreg.gather [hbm4b:s1+s3], $0x80, v4, vm0, $0xb8;
	[tilespmem:$0x10800] =	vst v63  }
0xd6: {  	s20 =	simm.s32 $0x4800  }
0xd7: {  	[tilespmem:s20], [sflag:$0x1] =	stream.indirect_vreg.gather [hbm4b:s1+s3], $0x80, v3, vm0, $0xb8;
	[tilespmem:$0x10800] =	vst v63  }
0xd8: {  	v3 =	vld [tilespmem:s17+$0xFFFFFDF0];
	_ =	sdelay $0x4  }
0xd9: {  	v50 =	vshll.u32 v3, $0x1  }
0xda: {  	v3 =	vand.u32 $0x7, v3;
	v4 =	vand.u32 $0xFFFFFFF0, v50  }
0xdb: {  	v3 =	vor.u32 v3, v4  }
0xdc: {  	v4 =	vperm.xlane v3, v0;
	_ =	sdelay $0x1  }
0xdd: {  	v3 =	vperm.xlane v3, v2;
	v4 =	vadd.s32 v1, v4;
	_ =	sdelay $0x1  }
0xde: {  	v3 =	vadd.s32 v1, v3;
	_ =	sdelay $0x1  }
0xdf: {  	s21 =	simm.s32 $0x5000  }
0xe0: {  	[tilespmem:s21], [sflag:$0x1] =	stream.indirect_vreg.gather [hbm4b:s1+s3], $0x80, v4, vm0, $0xb8;
	[tilespmem:$0x10800] =	vst v63  }
0xe1: {  	s21 =	simm.s32 $0x5800  }
0xe2: {  	[tilespmem:s21], [sflag:$0x1] =	stream.indirect_vreg.gather [hbm4b:s1+s3], $0x80, v3, vm0, $0xb8;
	[tilespmem:$0x10800] =	vst v63  }
0xe3: {  	v3 =	vld.msk [tilespmem:s17+$0xFFFFFE00], $0xff;
	_ =	sdelay $0x4  }
0xe4: {  	v51 =	vshll.u32 v3, $0x1  }
0xe5: {  	v3 =	vand.u32 $0x7, v3;
	v4 =	vand.u32 $0xFFFFFFF0, v51  }
0xe6: {  	v3 =	vor.u32 v3, v4  }
0xe7: {  	v3 =	vperm.xlane v3, v0;
	_ =	sdelay $0x1  }
0xe8: {  	v3 =	vadd.s32 v1, v3;
	_ =	sdelay $0x3  }
0xe9: {  	s21 =	simm.s32 $0x6000  }
0xea: {  	[tilespmem:s21], [sflag:$0x1] =	stream.indirect_vreg.gather [hbm4b:s1+s3], $0x80, v3, vm0, $0xb8;
	[tilespmem:$0x10800] =	vst v63  }
0xeb: {  	_ =	swait.ge [sflag:s12], $0x2800  }
0xec: {  	[sflag:s12] =	ssyncset.done $0x0  }
0xed: {  	[sflag:s12] =	ssyncadd.s32 $0xFFFFD800  }
0xee: {  	v3 =	vld [tilespmem:s17+$0xFFFFFE60];
	_ =	sdelay $0x4  }
0xef: {  	v52 =	vshll.u32 v3, $0x1  }
0xf0: {  	v3 =	vand.u32 $0x7, v3;
	v4 =	vand.u32 $0xFFFFFFF0, v52  }
0xf1: {  	v3 =	vor.u32 v3, v4  }
0xf2: {  	v4 =	vperm.xlane v3, v0;
	_ =	sdelay $0x1  }
0xf3: {  	v3 =	vperm.xlane v3, v2;
	v4 =	vadd.s32 v1, v4;
	_ =	sdelay $0x1  }
0xf4: {  	v3 =	vadd.s32 v1, v3;
	_ =	sdelay $0x2  }
0xf5: {  	[tilespmem:s13], [sflag:$0x2] =	stream.indirect_vreg.gather [hbm4b:s1+s3], $0x80, v4, vm0, $0xb8;
	[tilespmem:$0x10800] =	vst v63  }
0xf6: {  	s21 =	simm.s32 $0x7000  }
0xf7: {  	[tilespmem:s21], [sflag:$0x2] =	stream.indirect_vreg.gather [hbm4b:s1+s3], $0x80, v3, vm0, $0xb8;
	[tilespmem:$0x10800] =	vst v63  }
0xf8: {  	v3 =	vld [tilespmem:s17+$0xFFFFFE70];
	_ =	sdelay $0x4  }
0xf9: {  	v53 =	vshll.u32 v3, $0x1  }
0xfa: {  	v3 =	vand.u32 $0x7, v3;
	v4 =	vand.u32 $0xFFFFFFF0, v53  }
0xfb: {  	v3 =	vor.u32 v3, v4  }
0xfc: {  	v4 =	vperm.xlane v3, v0;
	_ =	sdelay $0x1  }
0xfd: {  	v3 =	vperm.xlane v3, v2;
	v4 =	vadd.s32 v1, v4;
	_ =	sdelay $0x1  }
0xfe: {  	v3 =	vadd.s32 v1, v3;
	_ =	sdelay $0x1  }
0xff: {  	s21 =	simm.s32 $0x7800  }
0x100: {  	[tilespmem:s21], [sflag:$0x2] =	stream.indirect_vreg.gather [hbm4b:s1+s3], $0x80, v4, vm0, $0xb8;
	[tilespmem:$0x10800] =	vst v63  }
0x101: {  	s21 =	simm.s32 $0x8000  }
0x102: {  	[tilespmem:s21], [sflag:$0x2] =	stream.indirect_vreg.gather [hbm4b:s1+s3], $0x80, v3, vm0, $0xb8;
	[tilespmem:$0x10800] =	vst v63  }
0x103: {  	v3 =	vld.msk [tilespmem:s17+$0xFFFFFE80], $0xff;
	_ =	sdelay $0x4  }
0x104: {  	v54 =	vshll.u32 v3, $0x1  }
0x105: {  	v3 =	vand.u32 $0x7, v3;
	v4 =	vand.u32 $0xFFFFFFF0, v54  }
0x106: {  	v3 =	vor.u32 v3, v4  }
0x107: {  	v3 =	vperm.xlane v3, v0;
	_ =	sdelay $0x1  }
0x108: {  	v3 =	vadd.s32 v1, v3;
	_ =	sdelay $0x3  }
0x109: {  	s21 =	simm.s32 $0x8800  }
0x10a: {  	[tilespmem:s21], [sflag:$0x2] =	stream.indirect_vreg.gather [hbm4b:s1+s3], $0x80, v3, vm0, $0xb8;
	[tilespmem:$0x10800] =	vst v63  }
0x10b: {  	_ =	swait.ge [sflag:s14], $0x2800  }
0x10c: {  	[sflag:s14] =	ssyncset.done $0x0  }
0x10d: {  	[sflag:s14] =	ssyncadd.s32 $0xFFFFD800  }
0x10e: {  	v3 =	vld [tilespmem:s17+$0xFFFFFEE0];
	_ =	sdelay $0x4  }
0x10f: {  	v55 =	vshll.u32 v3, $0x1  }
0x110: {  	v3 =	vand.u32 $0x7, v3;
	v4 =	vand.u32 $0xFFFFFFF0, v55  }
0x111: {  	v3 =	vor.u32 v3, v4  }
0x112: {  	v4 =	vperm.xlane v3, v0;
	_ =	sdelay $0x1  }
0x113: {  	v3 =	vperm.xlane v3, v2;
	v4 =	vadd.s32 v1, v4;
	_ =	sdelay $0x1  }
0x114: {  	v3 =	vadd.s32 v1, v3;
	_ =	sdelay $0x2  }
0x115: {  	[tilespmem:s18], [sflag:$0x3] =	stream.indirect_vreg.gather [hbm4b:s1+s3], $0x80, v4, vm0, $0xb8;
	[tilespmem:$0x10800] =	vst v63  }
0x116: {  	s21 =	simm.s32 $0x9800  }
0x117: {  	[tilespmem:s21], [sflag:$0x3] =	stream.indirect_vreg.gather [hbm4b:s1+s3], $0x80, v3, vm0, $0xb8;
	[tilespmem:$0x10800] =	vst v63  }
0x118: {  	v3 =	vld [tilespmem:s17+$0xFFFFFEF0];
	_ =	sdelay $0x4  }
0x119: {  	v56 =	vshll.u32 v3, $0x1  }
0x11a: {  	v3 =	vand.u32 $0x7, v3;
	v4 =	vand.u32 $0xFFFFFFF0, v56  }
0x11b: {  	v3 =	vor.u32 v3, v4  }
0x11c: {  	v4 =	vperm.xlane v3, v0;
	_ =	sdelay $0x1  }
0x11d: {  	v3 =	vperm.xlane v3, v2;
	v4 =	vadd.s32 v1, v4;
	_ =	sdelay $0x1  }
0x11e: {  	v3 =	vadd.s32 v1, v3;
	_ =	sdelay $0x1  }
0x11f: {  	s21 =	simm.s32 $0xA000  }
0x120: {  	[tilespmem:s21], [sflag:$0x3] =	stream.indirect_vreg.gather [hbm4b:s1+s3], $0x80, v4, vm0, $0xb8;
	[tilespmem:$0x10800] =	vst v63  }
0x121: {  	s21 =	simm.s32 $0xA800  }
0x122: {  	[tilespmem:s21], [sflag:$0x3] =	stream.indirect_vreg.gather [hbm4b:s1+s3], $0x80, v3, vm0, $0xb8;
	[tilespmem:$0x10800] =	vst v63  }
0x123: {  	v3 =	vld.msk [tilespmem:s17+$0xFFFFFF00], $0xff;
	_ =	sdelay $0x4  }
0x124: {  	v57 =	vshll.u32 v3, $0x1  }
0x125: {  	v3 =	vand.u32 $0x7, v3;
	v4 =	vand.u32 $0xFFFFFFF0, v57  }
0x126: {  	v3 =	vor.u32 v3, v4  }
0x127: {  	v3 =	vperm.xlane v3, v0;
	_ =	sdelay $0x1  }
0x128: {  	v3 =	vadd.s32 v1, v3;
	_ =	sdelay $0x4  }
0x129: {  	[tilespmem:s22], [sflag:$0x3] =	stream.indirect_vreg.gather [hbm4b:s1+s3], $0x80, v3, vm0, $0xb8;
	[tilespmem:$0x10800] =	vst v63  }
0x12a: {  	_ =	swait.ge [sflag:s15], $0x2800  }
0x12b: {  	[sflag:s15] =	ssyncset.done $0x0  }
0x12c: {  	[sflag:s15] =	ssyncadd.s32 $0xFFFFD800  }
0x12d: {  	v3 =	vld [tilespmem:s17+$0xFFFFFF60];
	_ =	sdelay $0x4  }
0x12e: {  	v58 =	vshll.u32 v3, $0x1  }
0x12f: {  	v3 =	vand.u32 $0x7, v3;
	v4 =	vand.u32 $0xFFFFFFF0, v58  }
0x130: {  	v3 =	vor.u32 v3, v4  }
0x131: {  	v4 =	vperm.xlane v3, v0;
	_ =	sdelay $0x1  }
0x132: {  	v3 =	vperm.xlane v3, v2;
	v4 =	vadd.s32 v1, v4;
	_ =	sdelay $0x1  }
0x133: {  	v3 =	vadd.s32 v1, v3;
	_ =	sdelay $0x2  }
0x134: {  	[tilespmem:s23], [sflag:$0x4] =	stream.indirect_vreg.gather [hbm4b:s1+s3], $0x80, v4, vm0, $0xb8;
	[tilespmem:$0x10800] =	vst v63  }
0x135: {  	_ = 	snop  }
0x136: {  	[tilespmem:s24], [sflag:$0x4] =	stream.indirect_vreg.gather [hbm4b:s1+s3], $0x80, v3, vm0, $0xb8;
	[tilespmem:$0x10800] =	vst v63  }
0x137: {  	v3 =	vld [tilespmem:s17+$0xFFFFFF70];
	_ =	sdelay $0x4  }
0x138: {  	v59 =	vshll.u32 v3, $0x1  }
0x139: {  	v3 =	vand.u32 $0x7, v3;
	v4 =	vand.u32 $0xFFFFFFF0, v59  }
0x13a: {  	v3 =	vor.u32 v3, v4  }
0x13b: {  	v4 =	vperm.xlane v3, v0;
	_ =	sdelay $0x1  }
0x13c: {  	v3 =	vperm.xlane v3, v2;
	v4 =	vadd.s32 v1, v4;
	_ =	sdelay $0x1  }
0x13d: {  	v3 =	vadd.s32 v1, v3;
	_ =	sdelay $0x2  }
0x13e: {  	[tilespmem:s25], [sflag:$0x4] =	stream.indirect_vreg.gather [hbm4b:s1+s3], $0x80, v4, vm0, $0xb8;
	[tilespmem:$0x10800] =	vst v63  }
0x13f: {  	_ = 	snop  }
0x140: {  	[tilespmem:s26], [sflag:$0x4] =	stream.indirect_vreg.gather [hbm4b:s1+s3], $0x80, v3, vm0, $0xb8;
	[tilespmem:$0x10800] =	vst v63  }
0x141: {  	v3 =	vld.msk [tilespmem:s17+$0xFFFFFF80], $0xff;
	_ =	sdelay $0x4  }
0x142: {  	v60 =	vshll.u32 v3, $0x1  }
0x143: {  	v3 =	vand.u32 $0x7, v3;
	v4 =	vand.u32 $0xFFFFFFF0, v60  }
0x144: {  	v3 =	vor.u32 v3, v4  }
0x145: {  	v3 =	vperm.xlane v3, v0;
	_ =	sdelay $0x1  }
0x146: {  	v3 =	vadd.s32 v1, v3;
	_ =	sdelay $0x4  }
0x147: {  	[tilespmem:s28], [sflag:$0x4] =	stream.indirect_vreg.gather [hbm4b:s1+s3], $0x80, v3, vm0, $0xb8;
	[tilespmem:$0x10800] =	vst v63  }
0x148: {  	_ =	swait.ge [sflag:s16], $0x2800  }
0x149: {  	[sflag:s16] =	ssyncset.done $0x0  }
0x14a: {  	[sflag:s16] =	ssyncadd.s32 $0xFFFFD800  }
0x14b: {  	v3 =	vld [tilespmem:s17+$0xFFFFFFE0];
	_ =	sdelay $0x4  }
0x14c: {  	v61 =	vshll.u32 v3, $0x1  }
0x14d: {  	v3 =	vand.u32 $0x7, v3;
	v4 =	vand.u32 $0xFFFFFFF0, v61  }
0x14e: {  	v3 =	vor.u32 v3, v4  }
0x14f: {  	v4 =	vperm.xlane v3, v0;
	_ =	sdelay $0x1  }
0x150: {  	v3 =	vperm.xlane v3, v2;
	v4 =	vadd.s32 v1, v4;
	_ =	sdelay $0x1  }
0x151: {  	v3 =	vadd.s32 v1, v3;
	_ =	sdelay $0x2  }
0x152: {  	[tilespmem:s29], [sflag:$0x5] =	stream.indirect_vreg.gather [hbm4b:s1+s3], $0x80, v4, vm0, $0xb8;
	[tilespmem:$0x10800] =	vst v63  }
0x153: {  	_ = 	snop  }
0x154: {  	[tilespmem:s30], [sflag:$0x5] =	stream.indirect_vreg.gather [hbm4b:s1+s3], $0x80, v3, vm0, $0xb8;
	[tilespmem:$0x10800] =	vst v63  }
0x155: {  	v3 =	vld [tilespmem:s17+$0xFFFFFFF0];
	_ =	sdelay $0x4  }
0x156: {  	v62 =	vshll.u32 v3, $0x1  }
0x157: {  	v3 =	vand.u32 $0x7, v3;
	v4 =	vand.u32 $0xFFFFFFF0, v62  }
0x158: {  	v3 =	vor.u32 v3, v4  }
0x159: {  	v4 =	vperm.xlane v3, v0;
	_ =	sdelay $0x1  }
0x15a: {  	v3 =	vperm.xlane v3, v2;
	v4 =	vadd.s32 v1, v4;
	_ =	sdelay $0x1  }
0x15b: {  	v3 =	vadd.s32 v1, v3;
	_ =	sdelay $0x2  }
0x15c: {  	[tilespmem:s31], [sflag:$0x5] =	stream.indirect_vreg.gather [hbm4b:s1+s3], $0x80, v4, vm0, $0xb8;
	[tilespmem:$0x10800] =	vst v63  }
0x15d: {  	_ = 	snop  }
0x15e: {  	[tilespmem:s0], [sflag:$0x5] =	stream.indirect_vreg.gather [hbm4b:s1+s3], $0x80, v3, vm0, $0xb8;
	[tilespmem:$0x10800] =	vst v63  }
0x15f: {  	v3 =	vld.msk [tilespmem:s17+$0x0], $0xff;
	_ =	sdelay $0x4  }
0x160: {  	v63 =	vshll.u32 v3, $0x1  }
0x161: {  	v3 =	vand.u32 $0x7, v3;
	v4 =	vand.u32 $0xFFFFFFF0, v63  }
0x162: {  	v3 =	vor.u32 v3, v4  }
0x163: {  	v3 =	vperm.xlane v3, v0;
	_ =	sdelay $0x1  }
0x164: {  	v3 =	vadd.s32 v1, v3  }
.Ltmp3:
0x165: {  	_ = 	snop;
	(pc) =	sbr.rel .LBB2_2-.Ltmp3, $3  }
0x166: {  	_ =	sdelay $0x1  }
0x167: {  	s19 =	sadd.s32 $0x1900, s19;
	s17 =	sadd.s32 $0x280, s17  }
0x168: {  	[tilespmem:s2], [sflag:$0x5] =	stream.indirect_vreg.gather [hbm4b:s1+s3], $0x80, v3, vm0, $0xb8;
	[tilespmem:$0x10800] =	vst v63  }
.LBB2_5:
0x169: {  	_ =	sfence.sel $0x180000  }
0x16a: {  	[bflag:$0x0] =	sbarrier.arrive $0xFFFF  }
0x16b: {  	_ =	strace $0x90000047  }
0x16c: {  	s0 =	stileid.u32;
	[bflag:$0x2] =	sbarrier.arrive $0xFFFF  }
0x16d: {  	p0 =	sne.s32 s0, $0x0;
	s0 =	rddreg [dreg:$0x3]  }
0x16e: {  	s0 =	sadd.s32 @!p0 $0x100000, s0  }
0x16f: {  	[sflag:s0] =	ssyncadd.tile.s32 @!p0 $0x1;
	_ =	shalt  }
.Lfunc_end2:
_tile_overlayer_lowered:
.L_overlay_start_2:
0x170: {  	(tag) =	ssettag $0x2  }
0x171: {  	s0 =	rddreg [dreg:$0x0];
	s2 =	stileid.u32  }
0x172: {  	s1 =	rddreg [dreg:$0x1];
	p0 =	sne.s32 s2, $0x0  }
0x173: {  	s3 =	rddreg [dreg:$0x2];
	[bflag:$0x3] =	sbarrier.arrive $0xFFFF;
	s2 =	simm.s32 @!p0 $0x1C0B  }
0x174: {  	[timem:s3], [sflag:s2] =	dma.local @!p0 [hbm:s0], s1  }
0x175: {  	s0 =	simm.s32 @!p0 $0xB  }
0x176: {  	_ =	swait.ge @!p0 [sflag:s0], s1  }
0x177: {  	s1 =	ssub.s32 @!p0 $0x0, s1;
	[sflag:s0] =	ssyncset.done @!p0 $0x0  }
0x178: {  	[sflag:s0] =	ssyncadd.s32 @!p0 s1  }
0x179: {  	[bflag:$0x3] =	sbarrier.arrive $0xFFFF  }
0x17a: {  	_ =	shalt  }

</sc_bundles>
